<compile_context>
chip_gen: v7x
topology: tpu7x:2x2x1
jax: 0.10.2.dev20260603
libtpu: 0.0.44.dev20260713+nightly
codegen_flags: <defaults>
</compile_context>

<pallas_src>
import functools

import jax
import jax.numpy as jnp
from jax import lax
from jax.experimental import pallas as pl
from jax.experimental.pallas import tpu as pltpu
from jax.experimental.pallas import tpu_sc as plsc

_INFO = plsc.get_sparse_core_info()
_NC = _INFO.num_cores
_NS = _INFO.num_subcores
_NW = _NC * _NS


def _make_gather(n_rows: int, seq: int, hidden: int, vocab: int):
    assert n_rows % (_NW * 8) == 0
    blk = n_rows // _NW
    assert blk <= 128
    assert seq >= 2 and seq % 2 == 0

    mesh = plsc.VectorSubcoreMesh(core_axis_name="c", subcore_axis_name="s")

    nbuf = 7

    @functools.partial(
        pl.kernel,
        out_type=jax.ShapeDtypeStruct((seq, n_rows, hidden), jnp.float32),
        mesh=mesh,
        scratch_types=[
            pltpu.VMEM((seq, blk), jnp.int32),
            pltpu.VMEM((nbuf, blk, hidden), jnp.float32),
            [pltpu.SemaphoreType.DMA] * nbuf,
            [pltpu.SemaphoreType.DMA] * nbuf,
        ],
    )
    def gather_kernel(table_hbm, idx_hbm, out_hbm, idx_v, rows_v, gsem, wsem):
        wid = lax.axis_index("s") * _NC + lax.axis_index("c")
        row_base = wid * blk
        pltpu.sync_copy(
            idx_hbm.at[pl.ds(0, seq), pl.ds(row_base, blk)], idx_v
        )

        def start_gather(j, p):
            pltpu.async_copy(table_hbm.at[idx_v.at[j]], rows_v.at[p], gsem[p])

        def wait_gather(p):
            pltpu.make_async_copy(
                table_hbm.at[idx_v.at[0]], rows_v.at[p], gsem[p]
            ).wait()

        def start_wb(j, p):
            pltpu.async_copy(
                rows_v.at[p], out_hbm.at[j, pl.ds(row_base, blk)], wsem[p]
            )

        def wait_wb(p):
            pltpu.make_async_copy(
                rows_v.at[p], out_hbm.at[0, pl.ds(row_base, blk)], wsem[p]
            ).wait()

        def step(j, p):
            wait_gather(p)
            start_wb(j, p)

        def full_step(j, p):
            step(j, p)
            wait_wb((p - 1) % nbuf)
            start_gather(j + nbuf - 1, (p - 1) % nbuf)

        for j in range(nbuf - 1):
            start_gather(j, j)
        step(0, 0)
        start_gather(nbuf - 1, nbuf - 1)

        n_full = seq - nbuf + 1
        n_loop = ((n_full - 1) // nbuf) * nbuf
        @pl.loop(1, 1 + n_loop, step=nbuf)
        def _body(jj):
            for b in range(nbuf):
                full_step(jj + b, (1 + b) % nbuf)
        for j in range(1 + n_loop, n_full):
            full_step(j, j % nbuf)
        for j in range(n_full, seq):
            step(j, j % nbuf)
        for j in range(seq - nbuf, seq):
            wait_wb(j % nbuf)

    return gather_kernel


@jax.jit
def kernel(x, weight):
    b, s = x.shape
    vocab, hidden = weight.shape
    idx_t = x.T.astype(jnp.int32)
    out_t = _make_gather(b, s, hidden, vocab)(weight, idx_t)
    return jnp.transpose(out_t, (1, 0, 2))

# --- scband reference (transcript-rebuilt; emitter-appended) ---
"""Pipeline reference for scband-vocab-parallel-embedding-head-46385646797688 (READ-ONLY COPY).

The authoritative reference and input builder live on the scoring server;
editing this copy changes nothing except your own understanding.
"""

import jax, jax.numpy as jnp
import numpy as np

VOCAB = 100000
HIDDEN = 128

def setup_inputs(seed: int = 0) -> dict:
    key = jax.random.key(seed)
    k1, k2 = jax.random.split(key)
    x = jax.random.randint(k1, (4096, 50), 0, VOCAB, dtype=jnp.int64) if jax.config.jax_enable_x64 else jax.random.randint(k1, (4096, 50), 0, VOCAB, dtype=jnp.int32)
    weight = jax.random.normal(k2, (VOCAB, HIDDEN), dtype=jnp.float32) * 0.02
    return {"x": x, "weight": weight}

def reference(x, weight):
    # Single-partition (tp_world_size == 1) path of VocabParallelEmbeddingHead:
    # plain embedding lookup y = F.embedding(x, weight)
    y = jnp.take(weight, x, axis=0)
    return y

if __name__ == "__main__":
    import jax
    _d = setup_inputs()
    print(jax.jit(kernel)(*tuple(_d.values())))

</pallas_src>

<mosaic_0001>
#map = affine_map<(d0, d1) -> (0, 0)>
#map1 = affine_map<(d0, d1) -> (0, 0, 0)>
module attributes {stable_mosaic.version = 14 : i64} {
  func.func @gather_kernel(%arg0: i32, %arg1: i32, %arg2: memref<100000x128xf32, #tpu.memory_space<hbm>>, %arg3: memref<50x4096xi32, #tpu.memory_space<hbm>>, %arg4: memref<50x4096x128xf32, #tpu.memory_space<hbm>>, %arg5: memref<50x128xi32, #tpu.memory_space<vmem>>, %arg6: memref<7x128x128xf32, #tpu.memory_space<vmem>>, %arg7: memref<!tpu.dma_semaphore, #tpu.memory_space<semaphore_mem>>, %arg8: memref<!tpu.dma_semaphore, #tpu.memory_space<semaphore_mem>>, %arg9: memref<!tpu.dma_semaphore, #tpu.memory_space<semaphore_mem>>, %arg10: memref<!tpu.dma_semaphore, #tpu.memory_space<semaphore_mem>>, %arg11: memref<!tpu.dma_semaphore, #tpu.memory_space<semaphore_mem>>, %arg12: memref<!tpu.dma_semaphore, #tpu.memory_space<semaphore_mem>>, %arg13: memref<!tpu.dma_semaphore, #tpu.memory_space<semaphore_mem>>, %arg14: memref<!tpu.dma_semaphore, #tpu.memory_space<semaphore_mem>>, %arg15: memref<!tpu.dma_semaphore, #tpu.memory_space<semaphore_mem>>, %arg16: memref<!tpu.dma_semaphore, #tpu.memory_space<semaphore_mem>>, %arg17: memref<!tpu.dma_semaphore, #tpu.memory_space<semaphore_mem>>, %arg18: memref<!tpu.dma_semaphore, #tpu.memory_space<semaphore_mem>>, %arg19: memref<!tpu.dma_semaphore, #tpu.memory_space<semaphore_mem>>, %arg20: memref<!tpu.dma_semaphore, #tpu.memory_space<semaphore_mem>>) attributes {dimension_semantics = [#tpu.dimension_semantics<core_parallel>, #tpu.dimension_semantics<subcore_parallel>], iteration_bounds = array<i64: 2, 16>, scalar_prefetch = 0 : i64, scratch_operands = 16 : i64, tpu.core_type = #tpu.core_type<sc_vector_subcore>, window_params = [{transform_indices = #map}, {transform_indices = #map}, {transform_indices = #map1}]} {
    %mul3A = arith.constant 2 : i32
    %mul3A_0 = arith.muli %arg1, %mul3A : i32
    %add3A = arith.addi %mul3A_0, %arg0 : i32
    %mul3A_1 = arith.constant 128 : i32
    %mul3A_2 = arith.muli %add3A, %mul3A_1 : i32
    "tpu.region"() ({
      %run_scoped3A = tpu.sem_alloc : memref<!tpu.dma_semaphore, #tpu.memory_space<semaphore_mem>>
      %dma_start3A_453 = arith.constant 0 : i32
      %dma_start3A_454 = tpu.memref_slice %arg3[%dma_start3A_453, %mul3A_2] : memref<50x4096xi32, #tpu.memory_space<hbm>> -> memref<50x128xi32, #tpu.memory_space<hbm>>
      %dma_start3A_455 = arith.constant 0 : i32
      %dma_start3A_456 = tpu.memref_slice %arg3[%dma_start3A_455, %mul3A_2] : memref<50x4096xi32, #tpu.memory_space<hbm>> -> memref<50x128xi32, #tpu.memory_space<hbm>>
      tpu.enqueue_dma source(%dma_start3A_456 : memref<50x128xi32, #tpu.memory_space<hbm>>) target(%arg5 : memref<50x128xi32, #tpu.memory_space<vmem>>) target_semaphore(%run_scoped3A : memref<!tpu.dma_semaphore, #tpu.memory_space<semaphore_mem>>)
      %dma_wait3A_457 = arith.constant 0 : i32
      %dma_wait3A_458 = tpu.memref_slice %arg3[%dma_wait3A_457, %mul3A_2] : memref<50x4096xi32, #tpu.memory_space<hbm>> -> memref<50x128xi32, #tpu.memory_space<hbm>>
      %dma_wait3A_459 = arith.constant 0 : i32
      %dma_wait3A_460 = tpu.memref_slice %arg3[%dma_wait3A_459, %mul3A_2] : memref<50x4096xi32, #tpu.memory_space<hbm>> -> memref<50x128xi32, #tpu.memory_space<hbm>>
      tpu.wait_dma2 semaphore(%run_scoped3A : memref<!tpu.dma_semaphore, #tpu.memory_space<semaphore_mem>>) src(%dma_wait3A_460 : memref<50x128xi32, #tpu.memory_space<hbm>>) dst(%arg5 : memref<50x128xi32, #tpu.memory_space<vmem>>)
      tpu.yield
    }) : () -> ()
    %dma_start3A = arith.constant 0 : i32
    %dma_start3A_3 = arith.constant 0 : i32
    %dma_start3A_4 = arith.constant 0 : i32
    %dma_start3A_5 = arith.constant 0 : i32
    %dma_start3A_6 = tpu.memref_slice %arg6[%dma_start3A_3, %dma_start3A_4, %dma_start3A_5] : memref<7x128x128xf32, #tpu.memory_space<vmem>> -> memref<1x128x128xf32, #tpu.memory_space<vmem>>
    %dma_start3A_7 = tpu.memref_squeeze %dma_start3A_6 : memref<1x128x128xf32, #tpu.memory_space<vmem>> -> memref<128x128xf32, #tpu.memory_space<vmem>>
    %dma_start3A_8 = arith.constant 0 : i32
    %dma_start3A_9 = tpu.memref_slice %arg5[%dma_start3A, %dma_start3A_8] : memref<50x128xi32, #tpu.memory_space<vmem>> -> memref<1x128xi32, #tpu.memory_space<vmem>>
    %dma_start3A_10 = tpu.memref_squeeze %dma_start3A_9 : memref<1x128xi32, #tpu.memory_space<vmem>> -> memref<128xi32, #tpu.memory_space<vmem>>
    %dma_start3A_11 = arith.constant 0 : i32
    %dma_start3A_12 = arith.constant 0 : i32
    %dma_start3A_13 = tpu.memref_slice %arg2[%dma_start3A_11, %dma_start3A_12] : memref<100000x128xf32, #tpu.memory_space<hbm>> -> memref<100000x128xf32, #tpu.memory_space<hbm>>
    tpu.enqueue_indirect_dma source(%dma_start3A_13 : memref<100000x128xf32, #tpu.memory_space<hbm>>) target(%dma_start3A_7 : memref<128x128xf32, #tpu.memory_space<vmem>>) offsets(%dma_start3A_10 : memref<128xi32, #tpu.memory_space<vmem>>) semaphore(%arg7 : memref<!tpu.dma_semaphore, #tpu.memory_space<semaphore_mem>>)
    %dma_start3A_14 = arith.constant 1 : i32
    %dma_start3A_15 = arith.constant 1 : i32
    %dma_start3A_16 = arith.constant 0 : i32
    %dma_start3A_17 = arith.constant 0 : i32
    %dma_start3A_18 = tpu.memref_slice %arg6[%dma_start3A_15, %dma_start3A_16, %dma_start3A_17] : memref<7x128x128xf32, #tpu.memory_space<vmem>> -> memref<1x128x128xf32, #tpu.memory_space<vmem>>
    %dma_start3A_19 = tpu.memref_squeeze %dma_start3A_18 : memref<1x128x128xf32, #tpu.memory_space<vmem>> -> memref<128x128xf32, #tpu.memory_space<vmem>>
    %dma_start3A_20 = arith.constant 0 : i32
    %dma_start3A_21 = tpu.memref_slice %arg5[%dma_start3A_14, %dma_start3A_20] : memref<50x128xi32, #tpu.memory_space<vmem>> -> memref<1x128xi32, #tpu.memory_space<vmem>>
    %dma_start3A_22 = tpu.memref_squeeze %dma_start3A_21 : memref<1x128xi32, #tpu.memory_space<vmem>> -> memref<128xi32, #tpu.memory_space<vmem>>
    %dma_start3A_23 = arith.constant 0 : i32
    %dma_start3A_24 = arith.constant 0 : i32
    %dma_start3A_25 = tpu.memref_slice %arg2[%dma_start3A_23, %dma_start3A_24] : memref<100000x128xf32, #tpu.memory_space<hbm>> -> memref<100000x128xf32, #tpu.memory_space<hbm>>
    tpu.enqueue_indirect_dma source(%dma_start3A_25 : memref<100000x128xf32, #tpu.memory_space<hbm>>) target(%dma_start3A_19 : memref<128x128xf32, #tpu.memory_space<vmem>>) offsets(%dma_start3A_22 : memref<128xi32, #tpu.memory_space<vmem>>) semaphore(%arg8 : memref<!tpu.dma_semaphore, #tpu.memory_space<semaphore_mem>>)
    %dma_start3A_26 = arith.constant 2 : i32
    %dma_start3A_27 = arith.constant 2 : i32
    %dma_start3A_28 = arith.constant 0 : i32
    %dma_start3A_29 = arith.constant 0 : i32
    %dma_start3A_30 = tpu.memref_slice %arg6[%dma_start3A_27, %dma_start3A_28, %dma_start3A_29] : memref<7x128x128xf32, #tpu.memory_space<vmem>> -> memref<1x128x128xf32, #tpu.memory_space<vmem>>
    %dma_start3A_31 = tpu.memref_squeeze %dma_start3A_30 : memref<1x128x128xf32, #tpu.memory_space<vmem>> -> memref<128x128xf32, #tpu.memory_space<vmem>>
    %dma_start3A_32 = arith.constant 0 : i32
    %dma_start3A_33 = tpu.memref_slice %arg5[%dma_start3A_26, %dma_start3A_32] : memref<50x128xi32, #tpu.memory_space<vmem>> -> memref<1x128xi32, #tpu.memory_space<vmem>>
    %dma_start3A_34 = tpu.memref_squeeze %dma_start3A_33 : memref<1x128xi32, #tpu.memory_space<vmem>> -> memref<128xi32, #tpu.memory_space<vmem>>
    %dma_start3A_35 = arith.constant 0 : i32
    %dma_start3A_36 = arith.constant 0 : i32
    %dma_start3A_37 = tpu.memref_slice %arg2[%dma_start3A_35, %dma_start3A_36] : memref<100000x128xf32, #tpu.memory_space<hbm>> -> memref<100000x128xf32, #tpu.memory_space<hbm>>
    tpu.enqueue_indirect_dma source(%dma_start3A_37 : memref<100000x128xf32, #tpu.memory_space<hbm>>) target(%dma_start3A_31 : memref<128x128xf32, #tpu.memory_space<vmem>>) offsets(%dma_start3A_34 : memref<128xi32, #tpu.memory_space<vmem>>) semaphore(%arg9 : memref<!tpu.dma_semaphore, #tpu.memory_space<semaphore_mem>>)
    %dma_start3A_38 = arith.constant 3 : i32
    %dma_start3A_39 = arith.constant 3 : i32
    %dma_start3A_40 = arith.constant 0 : i32
    %dma_start3A_41 = arith.constant 0 : i32
    %dma_start3A_42 = tpu.memref_slice %arg6[%dma_start3A_39, %dma_start3A_40, %dma_start3A_41] : memref<7x128x128xf32, #tpu.memory_space<vmem>> -> memref<1x128x128xf32, #tpu.memory_space<vmem>>
    %dma_start3A_43 = tpu.memref_squeeze %dma_start3A_42 : memref<1x128x128xf32, #tpu.memory_space<vmem>> -> memref<128x128xf32, #tpu.memory_space<vmem>>
    %dma_start3A_44 = arith.constant 0 : i32
    %dma_start3A_45 = tpu.memref_slice %arg5[%dma_start3A_38, %dma_start3A_44] : memref<50x128xi32, #tpu.memory_space<vmem>> -> memref<1x128xi32, #tpu.memory_space<vmem>>
    %dma_start3A_46 = tpu.memref_squeeze %dma_start3A_45 : memref<1x128xi32, #tpu.memory_space<vmem>> -> memref<128xi32, #tpu.memory_space<vmem>>
    %dma_start3A_47 = arith.constant 0 : i32
    %dma_start3A_48 = arith.constant 0 : i32
    %dma_start3A_49 = tpu.memref_slice %arg2[%dma_start3A_47, %dma_start3A_48] : memref<100000x128xf32, #tpu.memory_space<hbm>> -> memref<100000x128xf32, #tpu.memory_space<hbm>>
    tpu.enqueue_indirect_dma source(%dma_start3A_49 : memref<100000x128xf32, #tpu.memory_space<hbm>>) target(%dma_start3A_43 : memref<128x128xf32, #tpu.memory_space<vmem>>) offsets(%dma_start3A_46 : memref<128xi32, #tpu.memory_space<vmem>>) semaphore(%arg10 : memref<!tpu.dma_semaphore, #tpu.memory_space<semaphore_mem>>)
    %dma_start3A_50 = arith.constant 4 : i32
    %dma_start3A_51 = arith.constant 4 : i32
    %dma_start3A_52 = arith.constant 0 : i32
    %dma_start3A_53 = arith.constant 0 : i32
    %dma_start3A_54 = tpu.memref_slice %arg6[%dma_start3A_51, %dma_start3A_52, %dma_start3A_53] : memref<7x128x128xf32, #tpu.memory_space<vmem>> -> memref<1x128x128xf32, #tpu.memory_space<vmem>>
    %dma_start3A_55 = tpu.memref_squeeze %dma_start3A_54 : memref<1x128x128xf32, #tpu.memory_space<vmem>> -> memref<128x128xf32, #tpu.memory_space<vmem>>
    %dma_start3A_56 = arith.constant 0 : i32
    %dma_start3A_57 = tpu.memref_slice %arg5[%dma_start3A_50, %dma_start3A_56] : memref<50x128xi32, #tpu.memory_space<vmem>> -> memref<1x128xi32, #tpu.memory_space<vmem>>
    %dma_start3A_58 = tpu.memref_squeeze %dma_start3A_57 : memref<1x128xi32, #tpu.memory_space<vmem>> -> memref<128xi32, #tpu.memory_space<vmem>>
    %dma_start3A_59 = arith.constant 0 : i32
    %dma_start3A_60 = arith.constant 0 : i32
    %dma_start3A_61 = tpu.memref_slice %arg2[%dma_start3A_59, %dma_start3A_60] : memref<100000x128xf32, #tpu.memory_space<hbm>> -> memref<100000x128xf32, #tpu.memory_space<hbm>>
    tpu.enqueue_indirect_dma source(%dma_start3A_61 : memref<100000x128xf32, #tpu.memory_space<hbm>>) target(%dma_start3A_55 : memref<128x128xf32, #tpu.memory_space<vmem>>) offsets(%dma_start3A_58 : memref<128xi32, #tpu.memory_space<vmem>>) semaphore(%arg11 : memref<!tpu.dma_semaphore, #tpu.memory_space<semaphore_mem>>)
    %dma_start3A_62 = arith.constant 5 : i32
    %dma_start3A_63 = arith.constant 5 : i32
    %dma_start3A_64 = arith.constant 0 : i32
    %dma_start3A_65 = arith.constant 0 : i32
    %dma_start3A_66 = tpu.memref_slice %arg6[%dma_start3A_63, %dma_start3A_64, %dma_start3A_65] : memref<7x128x128xf32, #tpu.memory_space<vmem>> -> memref<1x128x128xf32, #tpu.memory_space<vmem>>
    %dma_start3A_67 = tpu.memref_squeeze %dma_start3A_66 : memref<1x128x128xf32, #tpu.memory_space<vmem>> -> memref<128x128xf32, #tpu.memory_space<vmem>>
    %dma_start3A_68 = arith.constant 0 : i32
    %dma_start3A_69 = tpu.memref_slice %arg5[%dma_start3A_62, %dma_start3A_68] : memref<50x128xi32, #tpu.memory_space<vmem>> -> memref<1x128xi32, #tpu.memory_space<vmem>>
    %dma_start3A_70 = tpu.memref_squeeze %dma_start3A_69 : memref<1x128xi32, #tpu.memory_space<vmem>> -> memref<128xi32, #tpu.memory_space<vmem>>
    %dma_start3A_71 = arith.constant 0 : i32
    %dma_start3A_72 = arith.constant 0 : i32
    %dma_start3A_73 = tpu.memref_slice %arg2[%dma_start3A_71, %dma_start3A_72] : memref<100000x128xf32, #tpu.memory_space<hbm>> -> memref<100000x128xf32, #tpu.memory_space<hbm>>
    tpu.enqueue_indirect_dma source(%dma_start3A_73 : memref<100000x128xf32, #tpu.memory_space<hbm>>) target(%dma_start3A_67 : memref<128x128xf32, #tpu.memory_space<vmem>>) offsets(%dma_start3A_70 : memref<128xi32, #tpu.memory_space<vmem>>) semaphore(%arg12 : memref<!tpu.dma_semaphore, #tpu.memory_space<semaphore_mem>>)
    %dma_wait3A = arith.constant 0 : i32
    %dma_wait3A_74 = arith.constant 0 : i32
    %dma_wait3A_75 = arith.constant 0 : i32
    %dma_wait3A_76 = arith.constant 0 : i32
    %dma_wait3A_77 = tpu.memref_slice %arg6[%dma_wait3A_74, %dma_wait3A_75, %dma_wait3A_76] : memref<7x128x128xf32, #tpu.memory_space<vmem>> -> memref<1x128x128xf32, #tpu.memory_space<vmem>>
    %dma_wait3A_78 = tpu.memref_squeeze %dma_wait3A_77 : memref<1x128x128xf32, #tpu.memory_space<vmem>> -> memref<128x128xf32, #tpu.memory_space<vmem>>
    %dma_wait3A_79 = arith.constant 0 : i32
    %dma_wait3A_80 = tpu.memref_slice %arg5[%dma_wait3A, %dma_wait3A_79] : memref<50x128xi32, #tpu.memory_space<vmem>> -> memref<1x128xi32, #tpu.memory_space<vmem>>
    %dma_wait3A_81 = tpu.memref_squeeze %dma_wait3A_80 : memref<1x128xi32, #tpu.memory_space<vmem>> -> memref<128xi32, #tpu.memory_space<vmem>>
    %dma_wait3A_82 = arith.constant 0 : i32
    %dma_wait3A_83 = arith.constant 0 : i32
    %dma_wait3A_84 = tpu.memref_slice %arg2[%dma_wait3A_82, %dma_wait3A_83] : memref<100000x128xf32, #tpu.memory_space<hbm>> -> memref<100000x128xf32, #tpu.memory_space<hbm>>
    tpu.wait_indirect_dma semaphore(%arg7 : memref<!tpu.dma_semaphore, #tpu.memory_space<semaphore_mem>>) src(%dma_wait3A_84 : memref<100000x128xf32, #tpu.memory_space<hbm>>) dst(%dma_wait3A_78 : memref<128x128xf32, #tpu.memory_space<vmem>>)
    %dma_start3A_85 = arith.constant 0 : i32
    %dma_start3A_86 = arith.constant 0 : i32
    %dma_start3A_87 = arith.constant 0 : i32
    %dma_start3A_88 = arith.constant 0 : i32
    %dma_start3A_89 = tpu.memref_slice %arg6[%dma_start3A_85, %dma_start3A_87, %dma_start3A_88] : memref<7x128x128xf32, #tpu.memory_space<vmem>> -> memref<1x128x128xf32, #tpu.memory_space<vmem>>
    %dma_start3A_90 = tpu.memref_squeeze %dma_start3A_89 : memref<1x128x128xf32, #tpu.memory_space<vmem>> -> memref<128x128xf32, #tpu.memory_space<vmem>>
    %dma_start3A_91 = arith.constant 0 : i32
    %dma_start3A_92 = tpu.memref_slice %arg4[%dma_start3A_86, %mul3A_2, %dma_start3A_91] : memref<50x4096x128xf32, #tpu.memory_space<hbm>> -> memref<1x128x128xf32, #tpu.memory_space<hbm>>
    %dma_start3A_93 = tpu.memref_squeeze %dma_start3A_92 : memref<1x128x128xf32, #tpu.memory_space<hbm>> -> memref<128x128xf32, #tpu.memory_space<hbm>>
    %dma_start3A_94 = arith.constant 0 : i32
    %dma_start3A_95 = tpu.memref_slice %arg4[%dma_start3A_86, %mul3A_2, %dma_start3A_94] : memref<50x4096x128xf32, #tpu.memory_space<hbm>> -> memref<1x128x128xf32, #tpu.memory_space<hbm>>
    %dma_start3A_96 = tpu.memref_squeeze %dma_start3A_95 : memref<1x128x128xf32, #tpu.memory_space<hbm>> -> memref<128x128xf32, #tpu.memory_space<hbm>>
    %dma_start3A_97 = arith.constant 0 : i32
    %dma_start3A_98 = arith.constant 0 : i32
    %dma_start3A_99 = tpu.memref_slice %arg6[%dma_start3A_85, %dma_start3A_97, %dma_start3A_98] : memref<7x128x128xf32, #tpu.memory_space<vmem>> -> memref<1x128x128xf32, #tpu.memory_space<vmem>>
    %dma_start3A_100 = tpu.memref_squeeze %dma_start3A_99 : memref<1x128x128xf32, #tpu.memory_space<vmem>> -> memref<128x128xf32, #tpu.memory_space<vmem>>
    tpu.enqueue_dma source(%dma_start3A_100 : memref<128x128xf32, #tpu.memory_space<vmem>>) target(%dma_start3A_96 : memref<128x128xf32, #tpu.memory_space<hbm>>) target_semaphore(%arg14 : memref<!tpu.dma_semaphore, #tpu.memory_space<semaphore_mem>>)
    %dma_start3A_101 = arith.constant 6 : i32
    %dma_start3A_102 = arith.constant 6 : i32
    %dma_start3A_103 = arith.constant 0 : i32
    %dma_start3A_104 = arith.constant 0 : i32
    %dma_start3A_105 = tpu.memref_slice %arg6[%dma_start3A_102, %dma_start3A_103, %dma_start3A_104] : memref<7x128x128xf32, #tpu.memory_space<vmem>> -> memref<1x128x128xf32, #tpu.memory_space<vmem>>
    %dma_start3A_106 = tpu.memref_squeeze %dma_start3A_105 : memref<1x128x128xf32, #tpu.memory_space<vmem>> -> memref<128x128xf32, #tpu.memory_space<vmem>>
    %dma_start3A_107 = arith.constant 0 : i32
    %dma_start3A_108 = tpu.memref_slice %arg5[%dma_start3A_101, %dma_start3A_107] : memref<50x128xi32, #tpu.memory_space<vmem>> -> memref<1x128xi32, #tpu.memory_space<vmem>>
    %dma_start3A_109 = tpu.memref_squeeze %dma_start3A_108 : memref<1x128xi32, #tpu.memory_space<vmem>> -> memref<128xi32, #tpu.memory_space<vmem>>
    %dma_start3A_110 = arith.constant 0 : i32
    %dma_start3A_111 = arith.constant 0 : i32
    %dma_start3A_112 = tpu.memref_slice %arg2[%dma_start3A_110, %dma_start3A_111] : memref<100000x128xf32, #tpu.memory_space<hbm>> -> memref<100000x128xf32, #tpu.memory_space<hbm>>
    tpu.enqueue_indirect_dma source(%dma_start3A_112 : memref<100000x128xf32, #tpu.memory_space<hbm>>) target(%dma_start3A_106 : memref<128x128xf32, #tpu.memory_space<vmem>>) offsets(%dma_start3A_109 : memref<128xi32, #tpu.memory_space<vmem>>) semaphore(%arg13 : memref<!tpu.dma_semaphore, #tpu.memory_space<semaphore_mem>>)
    %scan3A = arith.constant 0 : i32
    %scan3A_113 = arith.constant 6 : i32
    %scan3A_114 = arith.addi %scan3A, %scan3A_113 : i32
    %scan3A_115 = arith.constant 1 : i32
    scf.for %scan3A_453 = %scan3A to %scan3A_114 step %scan3A_115  : i32 {
      %mul3A_454 = arith.constant 7 : i32
      %mul3A_455 = arith.muli %scan3A_453, %mul3A_454 : i32
      %add3A_456 = arith.constant 1 : i32
      %add3A_457 = arith.addi %add3A_456, %mul3A_455 : i32
      %add3A_458 = arith.constant 0 : i32
      %add3A_459 = arith.addi %add3A_457, %add3A_458 : i32
      %dma_wait3A_460 = arith.constant 0 : i32
      %dma_wait3A_461 = arith.constant 1 : i32
      %dma_wait3A_462 = arith.constant 0 : i32
      %dma_wait3A_463 = arith.constant 0 : i32
      %dma_wait3A_464 = tpu.memref_slice %arg6[%dma_wait3A_461, %dma_wait3A_462, %dma_wait3A_463] : memref<7x128x128xf32, #tpu.memory_space<vmem>> -> memref<1x128x128xf32, #tpu.memory_space<vmem>>
      %dma_wait3A_465 = tpu.memref_squeeze %dma_wait3A_464 : memref<1x128x128xf32, #tpu.memory_space<vmem>> -> memref<128x128xf32, #tpu.memory_space<vmem>>
      %dma_wait3A_466 = arith.constant 0 : i32
      %dma_wait3A_467 = tpu.memref_slice %arg5[%dma_wait3A_460, %dma_wait3A_466] : memref<50x128xi32, #tpu.memory_space<vmem>> -> memref<1x128xi32, #tpu.memory_space<vmem>>
      %dma_wait3A_468 = tpu.memref_squeeze %dma_wait3A_467 : memref<1x128xi32, #tpu.memory_space<vmem>> -> memref<128xi32, #tpu.memory_space<vmem>>
      %dma_wait3A_469 = arith.constant 0 : i32
      %dma_wait3A_470 = arith.constant 0 : i32
      %dma_wait3A_471 = tpu.memref_slice %arg2[%dma_wait3A_469, %dma_wait3A_470] : memref<100000x128xf32, #tpu.memory_space<hbm>> -> memref<100000x128xf32, #tpu.memory_space<hbm>>
      tpu.wait_indirect_dma semaphore(%arg8 : memref<!tpu.dma_semaphore, #tpu.memory_space<semaphore_mem>>) src(%dma_wait3A_471 : memref<100000x128xf32, #tpu.memory_space<hbm>>) dst(%dma_wait3A_465 : memref<128x128xf32, #tpu.memory_space<vmem>>)
      %dma_start3A_472 = arith.constant 1 : i32
      %dma_start3A_473 = arith.constant 0 : i32
      %dma_start3A_474 = arith.constant 0 : i32
      %dma_start3A_475 = tpu.memref_slice %arg6[%dma_start3A_472, %dma_start3A_473, %dma_start3A_474] : memref<7x128x128xf32, #tpu.memory_space<vmem>> -> memref<1x128x128xf32, #tpu.memory_space<vmem>>
      %dma_start3A_476 = tpu.memref_squeeze %dma_start3A_475 : memref<1x128x128xf32, #tpu.memory_space<vmem>> -> memref<128x128xf32, #tpu.memory_space<vmem>>
      %dma_start3A_477 = arith.constant 0 : i32
      %dma_start3A_478 = tpu.memref_slice %arg4[%add3A_459, %mul3A_2, %dma_start3A_477] : memref<50x4096x128xf32, #tpu.memory_space<hbm>> -> memref<1x128x128xf32, #tpu.memory_space<hbm>>
      %dma_start3A_479 = tpu.memref_squeeze %dma_start3A_478 : memref<1x128x128xf32, #tpu.memory_space<hbm>> -> memref<128x128xf32, #tpu.memory_space<hbm>>
      %dma_start3A_480 = arith.constant 0 : i32
      %dma_start3A_481 = tpu.memref_slice %arg4[%add3A_459, %mul3A_2, %dma_start3A_480] : memref<50x4096x128xf32, #tpu.memory_space<hbm>> -> memref<1x128x128xf32, #tpu.memory_space<hbm>>
      %dma_start3A_482 = tpu.memref_squeeze %dma_start3A_481 : memref<1x128x128xf32, #tpu.memory_space<hbm>> -> memref<128x128xf32, #tpu.memory_space<hbm>>
      %dma_start3A_483 = arith.constant 0 : i32
      %dma_start3A_484 = arith.constant 0 : i32
      %dma_start3A_485 = tpu.memref_slice %arg6[%dma_start3A_472, %dma_start3A_483, %dma_start3A_484] : memref<7x128x128xf32, #tpu.memory_space<vmem>> -> memref<1x128x128xf32, #tpu.memory_space<vmem>>
      %dma_start3A_486 = tpu.memref_squeeze %dma_start3A_485 : memref<1x128x128xf32, #tpu.memory_space<vmem>> -> memref<128x128xf32, #tpu.memory_space<vmem>>
      tpu.enqueue_dma source(%dma_start3A_486 : memref<128x128xf32, #tpu.memory_space<vmem>>) target(%dma_start3A_482 : memref<128x128xf32, #tpu.memory_space<hbm>>) target_semaphore(%arg15 : memref<!tpu.dma_semaphore, #tpu.memory_space<semaphore_mem>>)
      %dma_wait3A_487 = arith.constant 0 : i32
      %dma_wait3A_488 = arith.constant 0 : i32
      %dma_wait3A_489 = arith.constant 0 : i32
      %dma_wait3A_490 = arith.constant 0 : i32
      %dma_wait3A_491 = tpu.memref_slice %arg6[%dma_wait3A_487, %dma_wait3A_489, %dma_wait3A_490] : memref<7x128x128xf32, #tpu.memory_space<vmem>> -> memref<1x128x128xf32, #tpu.memory_space<vmem>>
      %dma_wait3A_492 = tpu.memref_squeeze %dma_wait3A_491 : memref<1x128x128xf32, #tpu.memory_space<vmem>> -> memref<128x128xf32, #tpu.memory_space<vmem>>
      %dma_wait3A_493 = arith.constant 0 : i32
      %dma_wait3A_494 = tpu.memref_slice %arg4[%dma_wait3A_488, %mul3A_2, %dma_wait3A_493] : memref<50x4096x128xf32, #tpu.memory_space<hbm>> -> memref<1x128x128xf32, #tpu.memory_space<hbm>>
      %dma_wait3A_495 = tpu.memref_squeeze %dma_wait3A_494 : memref<1x128x128xf32, #tpu.memory_space<hbm>> -> memref<128x128xf32, #tpu.memory_space<hbm>>
      %dma_wait3A_496 = arith.constant 0 : i32
      %dma_wait3A_497 = tpu.memref_slice %arg4[%dma_wait3A_488, %mul3A_2, %dma_wait3A_496] : memref<50x4096x128xf32, #tpu.memory_space<hbm>> -> memref<1x128x128xf32, #tpu.memory_space<hbm>>
      %dma_wait3A_498 = tpu.memref_squeeze %dma_wait3A_497 : memref<1x128x128xf32, #tpu.memory_space<hbm>> -> memref<128x128xf32, #tpu.memory_space<hbm>>
      %dma_wait3A_499 = arith.constant 0 : i32
      %dma_wait3A_500 = arith.constant 0 : i32
      %dma_wait3A_501 = tpu.memref_slice %arg6[%dma_wait3A_487, %dma_wait3A_499, %dma_wait3A_500] : memref<7x128x128xf32, #tpu.memory_space<vmem>> -> memref<1x128x128xf32, #tpu.memory_space<vmem>>
      %dma_wait3A_502 = tpu.memref_squeeze %dma_wait3A_501 : memref<1x128x128xf32, #tpu.memory_space<vmem>> -> memref<128x128xf32, #tpu.memory_space<vmem>>
      tpu.wait_dma2 semaphore(%arg14 : memref<!tpu.dma_semaphore, #tpu.memory_space<semaphore_mem>>) src(%dma_wait3A_502 : memref<128x128xf32, #tpu.memory_space<vmem>>) dst(%dma_wait3A_498 : memref<128x128xf32, #tpu.memory_space<hbm>>)
      %add3A_503 = arith.constant 7 : i32
      %add3A_504 = arith.addi %add3A_459, %add3A_503 : i32
      %sub3A = arith.constant 1 : i32
      %sub3A_505 = arith.subi %add3A_504, %sub3A : i32
      %dma_start3A_506 = arith.constant 0 : i32
      %dma_start3A_507 = arith.constant 0 : i32
      %dma_start3A_508 = arith.constant 0 : i32
      %dma_start3A_509 = tpu.memref_slice %arg6[%dma_start3A_506, %dma_start3A_507, %dma_start3A_508] : memref<7x128x128xf32, #tpu.memory_space<vmem>> -> memref<1x128x128xf32, #tpu.memory_space<vmem>>
      %dma_start3A_510 = tpu.memref_squeeze %dma_start3A_509 : memref<1x128x128xf32, #tpu.memory_space<vmem>> -> memref<128x128xf32, #tpu.memory_space<vmem>>
      %dma_start3A_511 = arith.constant 0 : i32
      %dma_start3A_512 = tpu.memref_slice %arg5[%sub3A_505, %dma_start3A_511] : memref<50x128xi32, #tpu.memory_space<vmem>> -> memref<1x128xi32, #tpu.memory_space<vmem>>
      %dma_start3A_513 = tpu.memref_squeeze %dma_start3A_512 : memref<1x128xi32, #tpu.memory_space<vmem>> -> memref<128xi32, #tpu.memory_space<vmem>>
      %dma_start3A_514 = arith.constant 0 : i32
      %dma_start3A_515 = arith.constant 0 : i32
      %dma_start3A_516 = tpu.memref_slice %arg2[%dma_start3A_514, %dma_start3A_515] : memref<100000x128xf32, #tpu.memory_space<hbm>> -> memref<100000x128xf32, #tpu.memory_space<hbm>>
      tpu.enqueue_indirect_dma source(%dma_start3A_516 : memref<100000x128xf32, #tpu.memory_space<hbm>>) target(%dma_start3A_510 : memref<128x128xf32, #tpu.memory_space<vmem>>) offsets(%dma_start3A_513 : memref<128xi32, #tpu.memory_space<vmem>>) semaphore(%arg7 : memref<!tpu.dma_semaphore, #tpu.memory_space<semaphore_mem>>)
      %add3A_517 = arith.constant 1 : i32
      %add3A_518 = arith.addi %add3A_457, %add3A_517 : i32
      %dma_wait3A_519 = arith.constant 0 : i32
      %dma_wait3A_520 = arith.constant 2 : i32
      %dma_wait3A_521 = arith.constant 0 : i32
      %dma_wait3A_522 = arith.constant 0 : i32
      %dma_wait3A_523 = tpu.memref_slice %arg6[%dma_wait3A_520, %dma_wait3A_521, %dma_wait3A_522] : memref<7x128x128xf32, #tpu.memory_space<vmem>> -> memref<1x128x128xf32, #tpu.memory_space<vmem>>
      %dma_wait3A_524 = tpu.memref_squeeze %dma_wait3A_523 : memref<1x128x128xf32, #tpu.memory_space<vmem>> -> memref<128x128xf32, #tpu.memory_space<vmem>>
      %dma_wait3A_525 = arith.constant 0 : i32
      %dma_wait3A_526 = tpu.memref_slice %arg5[%dma_wait3A_519, %dma_wait3A_525] : memref<50x128xi32, #tpu.memory_space<vmem>> -> memref<1x128xi32, #tpu.memory_space<vmem>>
      %dma_wait3A_527 = tpu.memref_squeeze %dma_wait3A_526 : memref<1x128xi32, #tpu.memory_space<vmem>> -> memref<128xi32, #tpu.memory_space<vmem>>
      %dma_wait3A_528 = arith.constant 0 : i32
      %dma_wait3A_529 = arith.constant 0 : i32
      %dma_wait3A_530 = tpu.memref_slice %arg2[%dma_wait3A_528, %dma_wait3A_529] : memref<100000x128xf32, #tpu.memory_space<hbm>> -> memref<100000x128xf32, #tpu.memory_space<hbm>>
      tpu.wait_indirect_dma semaphore(%arg9 : memref<!tpu.dma_semaphore, #tpu.memory_space<semaphore_mem>>) src(%dma_wait3A_530 : memref<100000x128xf32, #tpu.memory_space<hbm>>) dst(%dma_wait3A_524 : memref<128x128xf32, #tpu.memory_space<vmem>>)
      %dma_start3A_531 = arith.constant 2 : i32
      %dma_start3A_532 = arith.constant 0 : i32
      %dma_start3A_533 = arith.constant 0 : i32
      %dma_start3A_534 = tpu.memref_slice %arg6[%dma_start3A_531, %dma_start3A_532, %dma_start3A_533] : memref<7x128x128xf32, #tpu.memory_space<vmem>> -> memref<1x128x128xf32, #tpu.memory_space<vmem>>
      %dma_start3A_535 = tpu.memref_squeeze %dma_start3A_534 : memref<1x128x128xf32, #tpu.memory_space<vmem>> -> memref<128x128xf32, #tpu.memory_space<vmem>>
      %dma_start3A_536 = arith.constant 0 : i32
      %dma_start3A_537 = tpu.memref_slice %arg4[%add3A_518, %mul3A_2, %dma_start3A_536] : memref<50x4096x128xf32, #tpu.memory_space<hbm>> -> memref<1x128x128xf32, #tpu.memory_space<hbm>>
      %dma_start3A_538 = tpu.memref_squeeze %dma_start3A_537 : memref<1x128x128xf32, #tpu.memory_space<hbm>> -> memref<128x128xf32, #tpu.memory_space<hbm>>
      %dma_start3A_539 = arith.constant 0 : i32
      %dma_start3A_540 = tpu.memref_slice %arg4[%add3A_518, %mul3A_2, %dma_start3A_539] : memref<50x4096x128xf32, #tpu.memory_space<hbm>> -> memref<1x128x128xf32, #tpu.memory_space<hbm>>
      %dma_start3A_541 = tpu.memref_squeeze %dma_start3A_540 : memref<1x128x128xf32, #tpu.memory_space<hbm>> -> memref<128x128xf32, #tpu.memory_space<hbm>>
      %dma_start3A_542 = arith.constant 0 : i32
      %dma_start3A_543 = arith.constant 0 : i32
      %dma_start3A_544 = tpu.memref_slice %arg6[%dma_start3A_531, %dma_start3A_542, %dma_start3A_543] : memref<7x128x128xf32, #tpu.memory_space<vmem>> -> memref<1x128x128xf32, #tpu.memory_space<vmem>>
      %dma_start3A_545 = tpu.memref_squeeze %dma_start3A_544 : memref<1x128x128xf32, #tpu.memory_space<vmem>> -> memref<128x128xf32, #tpu.memory_space<vmem>>
      tpu.enqueue_dma source(%dma_start3A_545 : memref<128x128xf32, #tpu.memory_space<vmem>>) target(%dma_start3A_541 : memref<128x128xf32, #tpu.memory_space<hbm>>) target_semaphore(%arg16 : memref<!tpu.dma_semaphore, #tpu.memory_space<semaphore_mem>>)
      %dma_wait3A_546 = arith.constant 1 : i32
      %dma_wait3A_547 = arith.constant 0 : i32
      %dma_wait3A_548 = arith.constant 0 : i32
      %dma_wait3A_549 = arith.constant 0 : i32
      %dma_wait3A_550 = tpu.memref_slice %arg6[%dma_wait3A_546, %dma_wait3A_548, %dma_wait3A_549] : memref<7x128x128xf32, #tpu.memory_space<vmem>> -> memref<1x128x128xf32, #tpu.memory_space<vmem>>
      %dma_wait3A_551 = tpu.memref_squeeze %dma_wait3A_550 : memref<1x128x128xf32, #tpu.memory_space<vmem>> -> memref<128x128xf32, #tpu.memory_space<vmem>>
      %dma_wait3A_552 = arith.constant 0 : i32
      %dma_wait3A_553 = tpu.memref_slice %arg4[%dma_wait3A_547, %mul3A_2, %dma_wait3A_552] : memref<50x4096x128xf32, #tpu.memory_space<hbm>> -> memref<1x128x128xf32, #tpu.memory_space<hbm>>
      %dma_wait3A_554 = tpu.memref_squeeze %dma_wait3A_553 : memref<1x128x128xf32, #tpu.memory_space<hbm>> -> memref<128x128xf32, #tpu.memory_space<hbm>>
      %dma_wait3A_555 = arith.constant 0 : i32
      %dma_wait3A_556 = tpu.memref_slice %arg4[%dma_wait3A_547, %mul3A_2, %dma_wait3A_555] : memref<50x4096x128xf32, #tpu.memory_space<hbm>> -> memref<1x128x128xf32, #tpu.memory_space<hbm>>
      %dma_wait3A_557 = tpu.memref_squeeze %dma_wait3A_556 : memref<1x128x128xf32, #tpu.memory_space<hbm>> -> memref<128x128xf32, #tpu.memory_space<hbm>>
      %dma_wait3A_558 = arith.constant 0 : i32
      %dma_wait3A_559 = arith.constant 0 : i32
      %dma_wait3A_560 = tpu.memref_slice %arg6[%dma_wait3A_546, %dma_wait3A_558, %dma_wait3A_559] : memref<7x128x128xf32, #tpu.memory_space<vmem>> -> memref<1x128x128xf32, #tpu.memory_space<vmem>>
      %dma_wait3A_561 = tpu.memref_squeeze %dma_wait3A_560 : memref<1x128x128xf32, #tpu.memory_space<vmem>> -> memref<128x128xf32, #tpu.memory_space<vmem>>
      tpu.wait_dma2 semaphore(%arg15 : memref<!tpu.dma_semaphore, #tpu.memory_space<semaphore_mem>>) src(%dma_wait3A_561 : memref<128x128xf32, #tpu.memory_space<vmem>>) dst(%dma_wait3A_557 : memref<128x128xf32, #tpu.memory_space<hbm>>)
      %add3A_562 = arith.constant 7 : i32
      %add3A_563 = arith.addi %add3A_518, %add3A_562 : i32
      %sub3A_564 = arith.constant 1 : i32
      %sub3A_565 = arith.subi %add3A_563, %sub3A_564 : i32
      %dma_start3A_566 = arith.constant 1 : i32
      %dma_start3A_567 = arith.constant 0 : i32
      %dma_start3A_568 = arith.constant 0 : i32
      %dma_start3A_569 = tpu.memref_slice %arg6[%dma_start3A_566, %dma_start3A_567, %dma_start3A_568] : memref<7x128x128xf32, #tpu.memory_space<vmem>> -> memref<1x128x128xf32, #tpu.memory_space<vmem>>
      %dma_start3A_570 = tpu.memref_squeeze %dma_start3A_569 : memref<1x128x128xf32, #tpu.memory_space<vmem>> -> memref<128x128xf32, #tpu.memory_space<vmem>>
      %dma_start3A_571 = arith.constant 0 : i32
      %dma_start3A_572 = tpu.memref_slice %arg5[%sub3A_565, %dma_start3A_571] : memref<50x128xi32, #tpu.memory_space<vmem>> -> memref<1x128xi32, #tpu.memory_space<vmem>>
      %dma_start3A_573 = tpu.memref_squeeze %dma_start3A_572 : memref<1x128xi32, #tpu.memory_space<vmem>> -> memref<128xi32, #tpu.memory_space<vmem>>
      %dma_start3A_574 = arith.constant 0 : i32
      %dma_start3A_575 = arith.constant 0 : i32
      %dma_start3A_576 = tpu.memref_slice %arg2[%dma_start3A_574, %dma_start3A_575] : memref<100000x128xf32, #tpu.memory_space<hbm>> -> memref<100000x128xf32, #tpu.memory_space<hbm>>
      tpu.enqueue_indirect_dma source(%dma_start3A_576 : memref<100000x128xf32, #tpu.memory_space<hbm>>) target(%dma_start3A_570 : memref<128x128xf32, #tpu.memory_space<vmem>>) offsets(%dma_start3A_573 : memref<128xi32, #tpu.memory_space<vmem>>) semaphore(%arg8 : memref<!tpu.dma_semaphore, #tpu.memory_space<semaphore_mem>>)
      %add3A_577 = arith.constant 2 : i32
      %add3A_578 = arith.addi %add3A_457, %add3A_577 : i32
      %dma_wait3A_579 = arith.constant 0 : i32
      %dma_wait3A_580 = arith.constant 3 : i32
      %dma_wait3A_581 = arith.constant 0 : i32
      %dma_wait3A_582 = arith.constant 0 : i32
      %dma_wait3A_583 = tpu.memref_slice %arg6[%dma_wait3A_580, %dma_wait3A_581, %dma_wait3A_582] : memref<7x128x128xf32, #tpu.memory_space<vmem>> -> memref<1x128x128xf32, #tpu.memory_space<vmem>>
      %dma_wait3A_584 = tpu.memref_squeeze %dma_wait3A_583 : memref<1x128x128xf32, #tpu.memory_space<vmem>> -> memref<128x128xf32, #tpu.memory_space<vmem>>
      %dma_wait3A_585 = arith.constant 0 : i32
      %dma_wait3A_586 = tpu.memref_slice %arg5[%dma_wait3A_579, %dma_wait3A_585] : memref<50x128xi32, #tpu.memory_space<vmem>> -> memref<1x128xi32, #tpu.memory_space<vmem>>
      %dma_wait3A_587 = tpu.memref_squeeze %dma_wait3A_586 : memref<1x128xi32, #tpu.memory_space<vmem>> -> memref<128xi32, #tpu.memory_space<vmem>>
      %dma_wait3A_588 = arith.constant 0 : i32
      %dma_wait3A_589 = arith.constant 0 : i32
      %dma_wait3A_590 = tpu.memref_slice %arg2[%dma_wait3A_588, %dma_wait3A_589] : memref<100000x128xf32, #tpu.memory_space<hbm>> -> memref<100000x128xf32, #tpu.memory_space<hbm>>
      tpu.wait_indirect_dma semaphore(%arg10 : memref<!tpu.dma_semaphore, #tpu.memory_space<semaphore_mem>>) src(%dma_wait3A_590 : memref<100000x128xf32, #tpu.memory_space<hbm>>) dst(%dma_wait3A_584 : memref<128x128xf32, #tpu.memory_space<vmem>>)
      %dma_start3A_591 = arith.constant 3 : i32
      %dma_start3A_592 = arith.constant 0 : i32
      %dma_start3A_593 = arith.constant 0 : i32
      %dma_start3A_594 = tpu.memref_slice %arg6[%dma_start3A_591, %dma_start3A_592, %dma_start3A_593] : memref<7x128x128xf32, #tpu.memory_space<vmem>> -> memref<1x128x128xf32, #tpu.memory_space<vmem>>
      %dma_start3A_595 = tpu.memref_squeeze %dma_start3A_594 : memref<1x128x128xf32, #tpu.memory_space<vmem>> -> memref<128x128xf32, #tpu.memory_space<vmem>>
      %dma_start3A_596 = arith.constant 0 : i32
      %dma_start3A_597 = tpu.memref_slice %arg4[%add3A_578, %mul3A_2, %dma_start3A_596] : memref<50x4096x128xf32, #tpu.memory_space<hbm>> -> memref<1x128x128xf32, #tpu.memory_space<hbm>>
      %dma_start3A_598 = tpu.memref_squeeze %dma_start3A_597 : memref<1x128x128xf32, #tpu.memory_space<hbm>> -> memref<128x128xf32, #tpu.memory_space<hbm>>
      %dma_start3A_599 = arith.constant 0 : i32
      %dma_start3A_600 = tpu.memref_slice %arg4[%add3A_578, %mul3A_2, %dma_start3A_599] : memref<50x4096x128xf32, #tpu.memory_space<hbm>> -> memref<1x128x128xf32, #tpu.memory_space<hbm>>
      %dma_start3A_601 = tpu.memref_squeeze %dma_start3A_600 : memref<1x128x128xf32, #tpu.memory_space<hbm>> -> memref<128x128xf32, #tpu.memory_space<hbm>>
      %dma_start3A_602 = arith.constant 0 : i32
      %dma_start3A_603 = arith.constant 0 : i32
      %dma_start3A_604 = tpu.memref_slice %arg6[%dma_start3A_591, %dma_start3A_602, %dma_start3A_603] : memref<7x128x128xf32, #tpu.memory_space<vmem>> -> memref<1x128x128xf32, #tpu.memory_space<vmem>>
      %dma_start3A_605 = tpu.memref_squeeze %dma_start3A_604 : memref<1x128x128xf32, #tpu.memory_space<vmem>> -> memref<128x128xf32, #tpu.memory_space<vmem>>
      tpu.enqueue_dma source(%dma_start3A_605 : memref<128x128xf32, #tpu.memory_space<vmem>>) target(%dma_start3A_601 : memref<128x128xf32, #tpu.memory_space<hbm>>) target_semaphore(%arg17 : memref<!tpu.dma_semaphore, #tpu.memory_space<semaphore_mem>>)
      %dma_wait3A_606 = arith.constant 2 : i32
      %dma_wait3A_607 = arith.constant 0 : i32
      %dma_wait3A_608 = arith.constant 0 : i32
      %dma_wait3A_609 = arith.constant 0 : i32
      %dma_wait3A_610 = tpu.memref_slice %arg6[%dma_wait3A_606, %dma_wait3A_608, %dma_wait3A_609] : memref<7x128x128xf32, #tpu.memory_space<vmem>> -> memref<1x128x128xf32, #tpu.memory_space<vmem>>
      %dma_wait3A_611 = tpu.memref_squeeze %dma_wait3A_610 : memref<1x128x128xf32, #tpu.memory_space<vmem>> -> memref<128x128xf32, #tpu.memory_space<vmem>>
      %dma_wait3A_612 = arith.constant 0 : i32
      %dma_wait3A_613 = tpu.memref_slice %arg4[%dma_wait3A_607, %mul3A_2, %dma_wait3A_612] : memref<50x4096x128xf32, #tpu.memory_space<hbm>> -> memref<1x128x128xf32, #tpu.memory_space<hbm>>
      %dma_wait3A_614 = tpu.memref_squeeze %dma_wait3A_613 : memref<1x128x128xf32, #tpu.memory_space<hbm>> -> memref<128x128xf32, #tpu.memory_space<hbm>>
      %dma_wait3A_615 = arith.constant 0 : i32
      %dma_wait3A_616 = tpu.memref_slice %arg4[%dma_wait3A_607, %mul3A_2, %dma_wait3A_615] : memref<50x4096x128xf32, #tpu.memory_space<hbm>> -> memref<1x128x128xf32, #tpu.memory_space<hbm>>
      %dma_wait3A_617 = tpu.memref_squeeze %dma_wait3A_616 : memref<1x128x128xf32, #tpu.memory_space<hbm>> -> memref<128x128xf32, #tpu.memory_space<hbm>>
      %dma_wait3A_618 = arith.constant 0 : i32
      %dma_wait3A_619 = arith.constant 0 : i32
      %dma_wait3A_620 = tpu.memref_slice %arg6[%dma_wait3A_606, %dma_wait3A_618, %dma_wait3A_619] : memref<7x128x128xf32, #tpu.memory_space<vmem>> -> memref<1x128x128xf32, #tpu.memory_space<vmem>>
      %dma_wait3A_621 = tpu.memref_squeeze %dma_wait3A_620 : memref<1x128x128xf32, #tpu.memory_space<vmem>> -> memref<128x128xf32, #tpu.memory_space<vmem>>
      tpu.wait_dma2 semaphore(%arg16 : memref<!tpu.dma_semaphore, #tpu.memory_space<semaphore_mem>>) src(%dma_wait3A_621 : memref<128x128xf32, #tpu.memory_space<vmem>>) dst(%dma_wait3A_617 : memref<128x128xf32, #tpu.memory_space<hbm>>)
      %add3A_622 = arith.constant 7 : i32
      %add3A_623 = arith.addi %add3A_578, %add3A_622 : i32
      %sub3A_624 = arith.constant 1 : i32
      %sub3A_625 = arith.subi %add3A_623, %sub3A_624 : i32
      %dma_start3A_626 = arith.constant 2 : i32
      %dma_start3A_627 = arith.constant 0 : i32
      %dma_start3A_628 = arith.constant 0 : i32
      %dma_start3A_629 = tpu.memref_slice %arg6[%dma_start3A_626, %dma_start3A_627, %dma_start3A_628] : memref<7x128x128xf32, #tpu.memory_space<vmem>> -> memref<1x128x128xf32, #tpu.memory_space<vmem>>
      %dma_start3A_630 = tpu.memref_squeeze %dma_start3A_629 : memref<1x128x128xf32, #tpu.memory_space<vmem>> -> memref<128x128xf32, #tpu.memory_space<vmem>>
      %dma_start3A_631 = arith.constant 0 : i32
      %dma_start3A_632 = tpu.memref_slice %arg5[%sub3A_625, %dma_start3A_631] : memref<50x128xi32, #tpu.memory_space<vmem>> -> memref<1x128xi32, #tpu.memory_space<vmem>>
      %dma_start3A_633 = tpu.memref_squeeze %dma_start3A_632 : memref<1x128xi32, #tpu.memory_space<vmem>> -> memref<128xi32, #tpu.memory_space<vmem>>
      %dma_start3A_634 = arith.constant 0 : i32
      %dma_start3A_635 = arith.constant 0 : i32
      %dma_start3A_636 = tpu.memref_slice %arg2[%dma_start3A_634, %dma_start3A_635] : memref<100000x128xf32, #tpu.memory_space<hbm>> -> memref<100000x128xf32, #tpu.memory_space<hbm>>
      tpu.enqueue_indirect_dma source(%dma_start3A_636 : memref<100000x128xf32, #tpu.memory_space<hbm>>) target(%dma_start3A_630 : memref<128x128xf32, #tpu.memory_space<vmem>>) offsets(%dma_start3A_633 : memref<128xi32, #tpu.memory_space<vmem>>) semaphore(%arg9 : memref<!tpu.dma_semaphore, #tpu.memory_space<semaphore_mem>>)
      %add3A_637 = arith.constant 3 : i32
      %add3A_638 = arith.addi %add3A_457, %add3A_637 : i32
      %dma_wait3A_639 = arith.constant 0 : i32
      %dma_wait3A_640 = arith.constant 4 : i32
      %dma_wait3A_641 = arith.constant 0 : i32
      %dma_wait3A_642 = arith.constant 0 : i32
      %dma_wait3A_643 = tpu.memref_slice %arg6[%dma_wait3A_640, %dma_wait3A_641, %dma_wait3A_642] : memref<7x128x128xf32, #tpu.memory_space<vmem>> -> memref<1x128x128xf32, #tpu.memory_space<vmem>>
      %dma_wait3A_644 = tpu.memref_squeeze %dma_wait3A_643 : memref<1x128x128xf32, #tpu.memory_space<vmem>> -> memref<128x128xf32, #tpu.memory_space<vmem>>
      %dma_wait3A_645 = arith.constant 0 : i32
      %dma_wait3A_646 = tpu.memref_slice %arg5[%dma_wait3A_639, %dma_wait3A_645] : memref<50x128xi32, #tpu.memory_space<vmem>> -> memref<1x128xi32, #tpu.memory_space<vmem>>
      %dma_wait3A_647 = tpu.memref_squeeze %dma_wait3A_646 : memref<1x128xi32, #tpu.memory_space<vmem>> -> memref<128xi32, #tpu.memory_space<vmem>>
      %dma_wait3A_648 = arith.constant 0 : i32
      %dma_wait3A_649 = arith.constant 0 : i32
      %dma_wait3A_650 = tpu.memref_slice %arg2[%dma_wait3A_648, %dma_wait3A_649] : memref<100000x128xf32, #tpu.memory_space<hbm>> -> memref<100000x128xf32, #tpu.memory_space<hbm>>
      tpu.wait_indirect_dma semaphore(%arg11 : memref<!tpu.dma_semaphore, #tpu.memory_space<semaphore_mem>>) src(%dma_wait3A_650 : memref<100000x128xf32, #tpu.memory_space<hbm>>) dst(%dma_wait3A_644 : memref<128x128xf32, #tpu.memory_space<vmem>>)
      %dma_start3A_651 = arith.constant 4 : i32
      %dma_start3A_652 = arith.constant 0 : i32
      %dma_start3A_653 = arith.constant 0 : i32
      %dma_start3A_654 = tpu.memref_slice %arg6[%dma_start3A_651, %dma_start3A_652, %dma_start3A_653] : memref<7x128x128xf32, #tpu.memory_space<vmem>> -> memref<1x128x128xf32, #tpu.memory_space<vmem>>
      %dma_start3A_655 = tpu.memref_squeeze %dma_start3A_654 : memref<1x128x128xf32, #tpu.memory_space<vmem>> -> memref<128x128xf32, #tpu.memory_space<vmem>>
      %dma_start3A_656 = arith.constant 0 : i32
      %dma_start3A_657 = tpu.memref_slice %arg4[%add3A_638, %mul3A_2, %dma_start3A_656] : memref<50x4096x128xf32, #tpu.memory_space<hbm>> -> memref<1x128x128xf32, #tpu.memory_space<hbm>>
      %dma_start3A_658 = tpu.memref_squeeze %dma_start3A_657 : memref<1x128x128xf32, #tpu.memory_space<hbm>> -> memref<128x128xf32, #tpu.memory_space<hbm>>
      %dma_start3A_659 = arith.constant 0 : i32
      %dma_start3A_660 = tpu.memref_slice %arg4[%add3A_638, %mul3A_2, %dma_start3A_659] : memref<50x4096x128xf32, #tpu.memory_space<hbm>> -> memref<1x128x128xf32, #tpu.memory_space<hbm>>
      %dma_start3A_661 = tpu.memref_squeeze %dma_start3A_660 : memref<1x128x128xf32, #tpu.memory_space<hbm>> -> memref<128x128xf32, #tpu.memory_space<hbm>>
      %dma_start3A_662 = arith.constant 0 : i32
      %dma_start3A_663 = arith.constant 0 : i32
      %dma_start3A_664 = tpu.memref_slice %arg6[%dma_start3A_651, %dma_start3A_662, %dma_start3A_663] : memref<7x128x128xf32, #tpu.memory_space<vmem>> -> memref<1x128x128xf32, #tpu.memory_space<vmem>>
      %dma_start3A_665 = tpu.memref_squeeze %dma_start3A_664 : memref<1x128x128xf32, #tpu.memory_space<vmem>> -> memref<128x128xf32, #tpu.memory_space<vmem>>
      tpu.enqueue_dma source(%dma_start3A_665 : memref<128x128xf32, #tpu.memory_space<vmem>>) target(%dma_start3A_661 : memref<128x128xf32, #tpu.memory_space<hbm>>) target_semaphore(%arg18 : memref<!tpu.dma_semaphore, #tpu.memory_space<semaphore_mem>>)
      %dma_wait3A_666 = arith.constant 3 : i32
      %dma_wait3A_667 = arith.constant 0 : i32
      %dma_wait3A_668 = arith.constant 0 : i32
      %dma_wait3A_669 = arith.constant 0 : i32
      %dma_wait3A_670 = tpu.memref_slice %arg6[%dma_wait3A_666, %dma_wait3A_668, %dma_wait3A_669] : memref<7x128x128xf32, #tpu.memory_space<vmem>> -> memref<1x128x128xf32, #tpu.memory_space<vmem>>
      %dma_wait3A_671 = tpu.memref_squeeze %dma_wait3A_670 : memref<1x128x128xf32, #tpu.memory_space<vmem>> -> memref<128x128xf32, #tpu.memory_space<vmem>>
      %dma_wait3A_672 = arith.constant 0 : i32
      %dma_wait3A_673 = tpu.memref_slice %arg4[%dma_wait3A_667, %mul3A_2, %dma_wait3A_672] : memref<50x4096x128xf32, #tpu.memory_space<hbm>> -> memref<1x128x128xf32, #tpu.memory_space<hbm>>
      %dma_wait3A_674 = tpu.memref_squeeze %dma_wait3A_673 : memref<1x128x128xf32, #tpu.memory_space<hbm>> -> memref<128x128xf32, #tpu.memory_space<hbm>>
      %dma_wait3A_675 = arith.constant 0 : i32
      %dma_wait3A_676 = tpu.memref_slice %arg4[%dma_wait3A_667, %mul3A_2, %dma_wait3A_675] : memref<50x4096x128xf32, #tpu.memory_space<hbm>> -> memref<1x128x128xf32, #tpu.memory_space<hbm>>
      %dma_wait3A_677 = tpu.memref_squeeze %dma_wait3A_676 : memref<1x128x128xf32, #tpu.memory_space<hbm>> -> memref<128x128xf32, #tpu.memory_space<hbm>>
      %dma_wait3A_678 = arith.constant 0 : i32
      %dma_wait3A_679 = arith.constant 0 : i32
      %dma_wait3A_680 = tpu.memref_slice %arg6[%dma_wait3A_666, %dma_wait3A_678, %dma_wait3A_679] : memref<7x128x128xf32, #tpu.memory_space<vmem>> -> memref<1x128x128xf32, #tpu.memory_space<vmem>>
      %dma_wait3A_681 = tpu.memref_squeeze %dma_wait3A_680 : memref<1x128x128xf32, #tpu.memory_space<vmem>> -> memref<128x128xf32, #tpu.memory_space<vmem>>
      tpu.wait_dma2 semaphore(%arg17 : memref<!tpu.dma_semaphore, #tpu.memory_space<semaphore_mem>>) src(%dma_wait3A_681 : memref<128x128xf32, #tpu.memory_space<vmem>>) dst(%dma_wait3A_677 : memref<128x128xf32, #tpu.memory_space<hbm>>)
      %add3A_682 = arith.constant 7 : i32
      %add3A_683 = arith.addi %add3A_638, %add3A_682 : i32
      %sub3A_684 = arith.constant 1 : i32
      %sub3A_685 = arith.subi %add3A_683, %sub3A_684 : i32
      %dma_start3A_686 = arith.constant 3 : i32
      %dma_start3A_687 = arith.constant 0 : i32
      %dma_start3A_688 = arith.constant 0 : i32
      %dma_start3A_689 = tpu.memref_slice %arg6[%dma_start3A_686, %dma_start3A_687, %dma_start3A_688] : memref<7x128x128xf32, #tpu.memory_space<vmem>> -> memref<1x128x128xf32, #tpu.memory_space<vmem>>
      %dma_start3A_690 = tpu.memref_squeeze %dma_start3A_689 : memref<1x128x128xf32, #tpu.memory_space<vmem>> -> memref<128x128xf32, #tpu.memory_space<vmem>>
      %dma_start3A_691 = arith.constant 0 : i32
      %dma_start3A_692 = tpu.memref_slice %arg5[%sub3A_685, %dma_start3A_691] : memref<50x128xi32, #tpu.memory_space<vmem>> -> memref<1x128xi32, #tpu.memory_space<vmem>>
      %dma_start3A_693 = tpu.memref_squeeze %dma_start3A_692 : memref<1x128xi32, #tpu.memory_space<vmem>> -> memref<128xi32, #tpu.memory_space<vmem>>
      %dma_start3A_694 = arith.constant 0 : i32
      %dma_start3A_695 = arith.constant 0 : i32
      %dma_start3A_696 = tpu.memref_slice %arg2[%dma_start3A_694, %dma_start3A_695] : memref<100000x128xf32, #tpu.memory_space<hbm>> -> memref<100000x128xf32, #tpu.memory_space<hbm>>
      tpu.enqueue_indirect_dma source(%dma_start3A_696 : memref<100000x128xf32, #tpu.memory_space<hbm>>) target(%dma_start3A_690 : memref<128x128xf32, #tpu.memory_space<vmem>>) offsets(%dma_start3A_693 : memref<128xi32, #tpu.memory_space<vmem>>) semaphore(%arg10 : memref<!tpu.dma_semaphore, #tpu.memory_space<semaphore_mem>>)
      %add3A_697 = arith.constant 4 : i32
      %add3A_698 = arith.addi %add3A_457, %add3A_697 : i32
      %dma_wait3A_699 = arith.constant 0 : i32
      %dma_wait3A_700 = arith.constant 5 : i32
      %dma_wait3A_701 = arith.constant 0 : i32
      %dma_wait3A_702 = arith.constant 0 : i32
      %dma_wait3A_703 = tpu.memref_slice %arg6[%dma_wait3A_700, %dma_wait3A_701, %dma_wait3A_702] : memref<7x128x128xf32, #tpu.memory_space<vmem>> -> memref<1x128x128xf32, #tpu.memory_space<vmem>>
      %dma_wait3A_704 = tpu.memref_squeeze %dma_wait3A_703 : memref<1x128x128xf32, #tpu.memory_space<vmem>> -> memref<128x128xf32, #tpu.memory_space<vmem>>
      %dma_wait3A_705 = arith.constant 0 : i32
      %dma_wait3A_706 = tpu.memref_slice %arg5[%dma_wait3A_699, %dma_wait3A_705] : memref<50x128xi32, #tpu.memory_space<vmem>> -> memref<1x128xi32, #tpu.memory_space<vmem>>
      %dma_wait3A_707 = tpu.memref_squeeze %dma_wait3A_706 : memref<1x128xi32, #tpu.memory_space<vmem>> -> memref<128xi32, #tpu.memory_space<vmem>>
      %dma_wait3A_708 = arith.constant 0 : i32
      %dma_wait3A_709 = arith.constant 0 : i32
      %dma_wait3A_710 = tpu.memref_slice %arg2[%dma_wait3A_708, %dma_wait3A_709] : memref<100000x128xf32, #tpu.memory_space<hbm>> -> memref<100000x128xf32, #tpu.memory_space<hbm>>
      tpu.wait_indirect_dma semaphore(%arg12 : memref<!tpu.dma_semaphore, #tpu.memory_space<semaphore_mem>>) src(%dma_wait3A_710 : memref<100000x128xf32, #tpu.memory_space<hbm>>) dst(%dma_wait3A_704 : memref<128x128xf32, #tpu.memory_space<vmem>>)
      %dma_start3A_711 = arith.constant 5 : i32
      %dma_start3A_712 = arith.constant 0 : i32
      %dma_start3A_713 = arith.constant 0 : i32
      %dma_start3A_714 = tpu.memref_slice %arg6[%dma_start3A_711, %dma_start3A_712, %dma_start3A_713] : memref<7x128x128xf32, #tpu.memory_space<vmem>> -> memref<1x128x128xf32, #tpu.memory_space<vmem>>
      %dma_start3A_715 = tpu.memref_squeeze %dma_start3A_714 : memref<1x128x128xf32, #tpu.memory_space<vmem>> -> memref<128x128xf32, #tpu.memory_space<vmem>>
      %dma_start3A_716 = arith.constant 0 : i32
      %dma_start3A_717 = tpu.memref_slice %arg4[%add3A_698, %mul3A_2, %dma_start3A_716] : memref<50x4096x128xf32, #tpu.memory_space<hbm>> -> memref<1x128x128xf32, #tpu.memory_space<hbm>>
      %dma_start3A_718 = tpu.memref_squeeze %dma_start3A_717 : memref<1x128x128xf32, #tpu.memory_space<hbm>> -> memref<128x128xf32, #tpu.memory_space<hbm>>
      %dma_start3A_719 = arith.constant 0 : i32
      %dma_start3A_720 = tpu.memref_slice %arg4[%add3A_698, %mul3A_2, %dma_start3A_719] : memref<50x4096x128xf32, #tpu.memory_space<hbm>> -> memref<1x128x128xf32, #tpu.memory_space<hbm>>
      %dma_start3A_721 = tpu.memref_squeeze %dma_start3A_720 : memref<1x128x128xf32, #tpu.memory_space<hbm>> -> memref<128x128xf32, #tpu.memory_space<hbm>>
      %dma_start3A_722 = arith.constant 0 : i32
      %dma_start3A_723 = arith.constant 0 : i32
      %dma_start3A_724 = tpu.memref_slice %arg6[%dma_start3A_711, %dma_start3A_722, %dma_start3A_723] : memref<7x128x128xf32, #tpu.memory_space<vmem>> -> memref<1x128x128xf32, #tpu.memory_space<vmem>>
      %dma_start3A_725 = tpu.memref_squeeze %dma_start3A_724 : memref<1x128x128xf32, #tpu.memory_space<vmem>> -> memref<128x128xf32, #tpu.memory_space<vmem>>
      tpu.enqueue_dma source(%dma_start3A_725 : memref<128x128xf32, #tpu.memory_space<vmem>>) target(%dma_start3A_721 : memref<128x128xf32, #tpu.memory_space<hbm>>) target_semaphore(%arg19 : memref<!tpu.dma_semaphore, #tpu.memory_space<semaphore_mem>>)
      %dma_wait3A_726 = arith.constant 4 : i32
      %dma_wait3A_727 = arith.constant 0 : i32
      %dma_wait3A_728 = arith.constant 0 : i32
      %dma_wait3A_729 = arith.constant 0 : i32
      %dma_wait3A_730 = tpu.memref_slice %arg6[%dma_wait3A_726, %dma_wait3A_728, %dma_wait3A_729] : memref<7x128x128xf32, #tpu.memory_space<vmem>> -> memref<1x128x128xf32, #tpu.memory_space<vmem>>
      %dma_wait3A_731 = tpu.memref_squeeze %dma_wait3A_730 : memref<1x128x128xf32, #tpu.memory_space<vmem>> -> memref<128x128xf32, #tpu.memory_space<vmem>>
      %dma_wait3A_732 = arith.constant 0 : i32
      %dma_wait3A_733 = tpu.memref_slice %arg4[%dma_wait3A_727, %mul3A_2, %dma_wait3A_732] : memref<50x4096x128xf32, #tpu.memory_space<hbm>> -> memref<1x128x128xf32, #tpu.memory_space<hbm>>
      %dma_wait3A_734 = tpu.memref_squeeze %dma_wait3A_733 : memref<1x128x128xf32, #tpu.memory_space<hbm>> -> memref<128x128xf32, #tpu.memory_space<hbm>>
      %dma_wait3A_735 = arith.constant 0 : i32
      %dma_wait3A_736 = tpu.memref_slice %arg4[%dma_wait3A_727, %mul3A_2, %dma_wait3A_735] : memref<50x4096x128xf32, #tpu.memory_space<hbm>> -> memref<1x128x128xf32, #tpu.memory_space<hbm>>
      %dma_wait3A_737 = tpu.memref_squeeze %dma_wait3A_736 : memref<1x128x128xf32, #tpu.memory_space<hbm>> -> memref<128x128xf32, #tpu.memory_space<hbm>>
      %dma_wait3A_738 = arith.constant 0 : i32
      %dma_wait3A_739 = arith.constant 0 : i32
      %dma_wait3A_740 = tpu.memref_slice %arg6[%dma_wait3A_726, %dma_wait3A_738, %dma_wait3A_739] : memref<7x128x128xf32, #tpu.memory_space<vmem>> -> memref<1x128x128xf32, #tpu.memory_space<vmem>>
      %dma_wait3A_741 = tpu.memref_squeeze %dma_wait3A_740 : memref<1x128x128xf32, #tpu.memory_space<vmem>> -> memref<128x128xf32, #tpu.memory_space<vmem>>
      tpu.wait_dma2 semaphore(%arg18 : memref<!tpu.dma_semaphore, #tpu.memory_space<semaphore_mem>>) src(%dma_wait3A_741 : memref<128x128xf32, #tpu.memory_space<vmem>>) dst(%dma_wait3A_737 : memref<128x128xf32, #tpu.memory_space<hbm>>)
      %add3A_742 = arith.constant 7 : i32
      %add3A_743 = arith.addi %add3A_698, %add3A_742 : i32
      %sub3A_744 = arith.constant 1 : i32
      %sub3A_745 = arith.subi %add3A_743, %sub3A_744 : i32
      %dma_start3A_746 = arith.constant 4 : i32
      %dma_start3A_747 = arith.constant 0 : i32
      %dma_start3A_748 = arith.constant 0 : i32
      %dma_start3A_749 = tpu.memref_slice %arg6[%dma_start3A_746, %dma_start3A_747, %dma_start3A_748] : memref<7x128x128xf32, #tpu.memory_space<vmem>> -> memref<1x128x128xf32, #tpu.memory_space<vmem>>
      %dma_start3A_750 = tpu.memref_squeeze %dma_start3A_749 : memref<1x128x128xf32, #tpu.memory_space<vmem>> -> memref<128x128xf32, #tpu.memory_space<vmem>>
      %dma_start3A_751 = arith.constant 0 : i32
      %dma_start3A_752 = tpu.memref_slice %arg5[%sub3A_745, %dma_start3A_751] : memref<50x128xi32, #tpu.memory_space<vmem>> -> memref<1x128xi32, #tpu.memory_space<vmem>>
      %dma_start3A_753 = tpu.memref_squeeze %dma_start3A_752 : memref<1x128xi32, #tpu.memory_space<vmem>> -> memref<128xi32, #tpu.memory_space<vmem>>
      %dma_start3A_754 = arith.constant 0 : i32
      %dma_start3A_755 = arith.constant 0 : i32
      %dma_start3A_756 = tpu.memref_slice %arg2[%dma_start3A_754, %dma_start3A_755] : memref<100000x128xf32, #tpu.memory_space<hbm>> -> memref<100000x128xf32, #tpu.memory_space<hbm>>
      tpu.enqueue_indirect_dma source(%dma_start3A_756 : memref<100000x128xf32, #tpu.memory_space<hbm>>) target(%dma_start3A_750 : memref<128x128xf32, #tpu.memory_space<vmem>>) offsets(%dma_start3A_753 : memref<128xi32, #tpu.memory_space<vmem>>) semaphore(%arg11 : memref<!tpu.dma_semaphore, #tpu.memory_space<semaphore_mem>>)
      %add3A_757 = arith.constant 5 : i32
      %add3A_758 = arith.addi %add3A_457, %add3A_757 : i32
      %dma_wait3A_759 = arith.constant 0 : i32
      %dma_wait3A_760 = arith.constant 6 : i32
      %dma_wait3A_761 = arith.constant 0 : i32
      %dma_wait3A_762 = arith.constant 0 : i32
      %dma_wait3A_763 = tpu.memref_slice %arg6[%dma_wait3A_760, %dma_wait3A_761, %dma_wait3A_762] : memref<7x128x128xf32, #tpu.memory_space<vmem>> -> memref<1x128x128xf32, #tpu.memory_space<vmem>>
      %dma_wait3A_764 = tpu.memref_squeeze %dma_wait3A_763 : memref<1x128x128xf32, #tpu.memory_space<vmem>> -> memref<128x128xf32, #tpu.memory_space<vmem>>
      %dma_wait3A_765 = arith.constant 0 : i32
      %dma_wait3A_766 = tpu.memref_slice %arg5[%dma_wait3A_759, %dma_wait3A_765] : memref<50x128xi32, #tpu.memory_space<vmem>> -> memref<1x128xi32, #tpu.memory_space<vmem>>
      %dma_wait3A_767 = tpu.memref_squeeze %dma_wait3A_766 : memref<1x128xi32, #tpu.memory_space<vmem>> -> memref<128xi32, #tpu.memory_space<vmem>>
      %dma_wait3A_768 = arith.constant 0 : i32
      %dma_wait3A_769 = arith.constant 0 : i32
      %dma_wait3A_770 = tpu.memref_slice %arg2[%dma_wait3A_768, %dma_wait3A_769] : memref<100000x128xf32, #tpu.memory_space<hbm>> -> memref<100000x128xf32, #tpu.memory_space<hbm>>
      tpu.wait_indirect_dma semaphore(%arg13 : memref<!tpu.dma_semaphore, #tpu.memory_space<semaphore_mem>>) src(%dma_wait3A_770 : memref<100000x128xf32, #tpu.memory_space<hbm>>) dst(%dma_wait3A_764 : memref<128x128xf32, #tpu.memory_space<vmem>>)
      %dma_start3A_771 = arith.constant 6 : i32
      %dma_start3A_772 = arith.constant 0 : i32
      %dma_start3A_773 = arith.constant 0 : i32
      %dma_start3A_774 = tpu.memref_slice %arg6[%dma_start3A_771, %dma_start3A_772, %dma_start3A_773] : memref<7x128x128xf32, #tpu.memory_space<vmem>> -> memref<1x128x128xf32, #tpu.memory_space<vmem>>
      %dma_start3A_775 = tpu.memref_squeeze %dma_start3A_774 : memref<1x128x128xf32, #tpu.memory_space<vmem>> -> memref<128x128xf32, #tpu.memory_space<vmem>>
      %dma_start3A_776 = arith.constant 0 : i32
      %dma_start3A_777 = tpu.memref_slice %arg4[%add3A_758, %mul3A_2, %dma_start3A_776] : memref<50x4096x128xf32, #tpu.memory_space<hbm>> -> memref<1x128x128xf32, #tpu.memory_space<hbm>>
      %dma_start3A_778 = tpu.memref_squeeze %dma_start3A_777 : memref<1x128x128xf32, #tpu.memory_space<hbm>> -> memref<128x128xf32, #tpu.memory_space<hbm>>
      %dma_start3A_779 = arith.constant 0 : i32
      %dma_start3A_780 = tpu.memref_slice %arg4[%add3A_758, %mul3A_2, %dma_start3A_779] : memref<50x4096x128xf32, #tpu.memory_space<hbm>> -> memref<1x128x128xf32, #tpu.memory_space<hbm>>
      %dma_start3A_781 = tpu.memref_squeeze %dma_start3A_780 : memref<1x128x128xf32, #tpu.memory_space<hbm>> -> memref<128x128xf32, #tpu.memory_space<hbm>>
      %dma_start3A_782 = arith.constant 0 : i32
      %dma_start3A_783 = arith.constant 0 : i32
      %dma_start3A_784 = tpu.memref_slice %arg6[%dma_start3A_771, %dma_start3A_782, %dma_start3A_783] : memref<7x128x128xf32, #tpu.memory_space<vmem>> -> memref<1x128x128xf32, #tpu.memory_space<vmem>>
      %dma_start3A_785 = tpu.memref_squeeze %dma_start3A_784 : memref<1x128x128xf32, #tpu.memory_space<vmem>> -> memref<128x128xf32, #tpu.memory_space<vmem>>
      tpu.enqueue_dma source(%dma_start3A_785 : memref<128x128xf32, #tpu.memory_space<vmem>>) target(%dma_start3A_781 : memref<128x128xf32, #tpu.memory_space<hbm>>) target_semaphore(%arg20 : memref<!tpu.dma_semaphore, #tpu.memory_space<semaphore_mem>>)
      %dma_wait3A_786 = arith.constant 5 : i32
      %dma_wait3A_787 = arith.constant 0 : i32
      %dma_wait3A_788 = arith.constant 0 : i32
      %dma_wait3A_789 = arith.constant 0 : i32
      %dma_wait3A_790 = tpu.memref_slice %arg6[%dma_wait3A_786, %dma_wait3A_788, %dma_wait3A_789] : memref<7x128x128xf32, #tpu.memory_space<vmem>> -> memref<1x128x128xf32, #tpu.memory_space<vmem>>
      %dma_wait3A_791 = tpu.memref_squeeze %dma_wait3A_790 : memref<1x128x128xf32, #tpu.memory_space<vmem>> -> memref<128x128xf32, #tpu.memory_space<vmem>>
      %dma_wait3A_792 = arith.constant 0 : i32
      %dma_wait3A_793 = tpu.memref_slice %arg4[%dma_wait3A_787, %mul3A_2, %dma_wait3A_792] : memref<50x4096x128xf32, #tpu.memory_space<hbm>> -> memref<1x128x128xf32, #tpu.memory_space<hbm>>
      %dma_wait3A_794 = tpu.memref_squeeze %dma_wait3A_793 : memref<1x128x128xf32, #tpu.memory_space<hbm>> -> memref<128x128xf32, #tpu.memory_space<hbm>>
      %dma_wait3A_795 = arith.constant 0 : i32
      %dma_wait3A_796 = tpu.memref_slice %arg4[%dma_wait3A_787, %mul3A_2, %dma_wait3A_795] : memref<50x4096x128xf32, #tpu.memory_space<hbm>> -> memref<1x128x128xf32, #tpu.memory_space<hbm>>
      %dma_wait3A_797 = tpu.memref_squeeze %dma_wait3A_796 : memref<1x128x128xf32, #tpu.memory_space<hbm>> -> memref<128x128xf32, #tpu.memory_space<hbm>>
      %dma_wait3A_798 = arith.constant 0 : i32
      %dma_wait3A_799 = arith.constant 0 : i32
      %dma_wait3A_800 = tpu.memref_slice %arg6[%dma_wait3A_786, %dma_wait3A_798, %dma_wait3A_799] : memref<7x128x128xf32, #tpu.memory_space<vmem>> -> memref<1x128x128xf32, #tpu.memory_space<vmem>>
      %dma_wait3A_801 = tpu.memref_squeeze %dma_wait3A_800 : memref<1x128x128xf32, #tpu.memory_space<vmem>> -> memref<128x128xf32, #tpu.memory_space<vmem>>
      tpu.wait_dma2 semaphore(%arg19 : memref<!tpu.dma_semaphore, #tpu.memory_space<semaphore_mem>>) src(%dma_wait3A_801 : memref<128x128xf32, #tpu.memory_space<vmem>>) dst(%dma_wait3A_797 : memref<128x128xf32, #tpu.memory_space<hbm>>)
      %add3A_802 = arith.constant 7 : i32
      %add3A_803 = arith.addi %add3A_758, %add3A_802 : i32
      %sub3A_804 = arith.constant 1 : i32
      %sub3A_805 = arith.subi %add3A_803, %sub3A_804 : i32
      %dma_start3A_806 = arith.constant 5 : i32
      %dma_start3A_807 = arith.constant 0 : i32
      %dma_start3A_808 = arith.constant 0 : i32
      %dma_start3A_809 = tpu.memref_slice %arg6[%dma_start3A_806, %dma_start3A_807, %dma_start3A_808] : memref<7x128x128xf32, #tpu.memory_space<vmem>> -> memref<1x128x128xf32, #tpu.memory_space<vmem>>
      %dma_start3A_810 = tpu.memref_squeeze %dma_start3A_809 : memref<1x128x128xf32, #tpu.memory_space<vmem>> -> memref<128x128xf32, #tpu.memory_space<vmem>>
      %dma_start3A_811 = arith.constant 0 : i32
      %dma_start3A_812 = tpu.memref_slice %arg5[%sub3A_805, %dma_start3A_811] : memref<50x128xi32, #tpu.memory_space<vmem>> -> memref<1x128xi32, #tpu.memory_space<vmem>>
      %dma_start3A_813 = tpu.memref_squeeze %dma_start3A_812 : memref<1x128xi32, #tpu.memory_space<vmem>> -> memref<128xi32, #tpu.memory_space<vmem>>
      %dma_start3A_814 = arith.constant 0 : i32
      %dma_start3A_815 = arith.constant 0 : i32
      %dma_start3A_816 = tpu.memref_slice %arg2[%dma_start3A_814, %dma_start3A_815] : memref<100000x128xf32, #tpu.memory_space<hbm>> -> memref<100000x128xf32, #tpu.memory_space<hbm>>
      tpu.enqueue_indirect_dma source(%dma_start3A_816 : memref<100000x128xf32, #tpu.memory_space<hbm>>) target(%dma_start3A_810 : memref<128x128xf32, #tpu.memory_space<vmem>>) offsets(%dma_start3A_813 : memref<128xi32, #tpu.memory_space<vmem>>) semaphore(%arg12 : memref<!tpu.dma_semaphore, #tpu.memory_space<semaphore_mem>>)
      %add3A_817 = arith.constant 6 : i32
      %add3A_818 = arith.addi %add3A_457, %add3A_817 : i32
      %dma_wait3A_819 = arith.constant 0 : i32
      %dma_wait3A_820 = arith.constant 0 : i32
      %dma_wait3A_821 = arith.constant 0 : i32
      %dma_wait3A_822 = arith.constant 0 : i32
      %dma_wait3A_823 = tpu.memref_slice %arg6[%dma_wait3A_820, %dma_wait3A_821, %dma_wait3A_822] : memref<7x128x128xf32, #tpu.memory_space<vmem>> -> memref<1x128x128xf32, #tpu.memory_space<vmem>>
      %dma_wait3A_824 = tpu.memref_squeeze %dma_wait3A_823 : memref<1x128x128xf32, #tpu.memory_space<vmem>> -> memref<128x128xf32, #tpu.memory_space<vmem>>
      %dma_wait3A_825 = arith.constant 0 : i32
      %dma_wait3A_826 = tpu.memref_slice %arg5[%dma_wait3A_819, %dma_wait3A_825] : memref<50x128xi32, #tpu.memory_space<vmem>> -> memref<1x128xi32, #tpu.memory_space<vmem>>
      %dma_wait3A_827 = tpu.memref_squeeze %dma_wait3A_826 : memref<1x128xi32, #tpu.memory_space<vmem>> -> memref<128xi32, #tpu.memory_space<vmem>>
      %dma_wait3A_828 = arith.constant 0 : i32
      %dma_wait3A_829 = arith.constant 0 : i32
      %dma_wait3A_830 = tpu.memref_slice %arg2[%dma_wait3A_828, %dma_wait3A_829] : memref<100000x128xf32, #tpu.memory_space<hbm>> -> memref<100000x128xf32, #tpu.memory_space<hbm>>
      tpu.wait_indirect_dma semaphore(%arg7 : memref<!tpu.dma_semaphore, #tpu.memory_space<semaphore_mem>>) src(%dma_wait3A_830 : memref<100000x128xf32, #tpu.memory_space<hbm>>) dst(%dma_wait3A_824 : memref<128x128xf32, #tpu.memory_space<vmem>>)
      %dma_start3A_831 = arith.constant 0 : i32
      %dma_start3A_832 = arith.constant 0 : i32
      %dma_start3A_833 = arith.constant 0 : i32
      %dma_start3A_834 = tpu.memref_slice %arg6[%dma_start3A_831, %dma_start3A_832, %dma_start3A_833] : memref<7x128x128xf32, #tpu.memory_space<vmem>> -> memref<1x128x128xf32, #tpu.memory_space<vmem>>
      %dma_start3A_835 = tpu.memref_squeeze %dma_start3A_834 : memref<1x128x128xf32, #tpu.memory_space<vmem>> -> memref<128x128xf32, #tpu.memory_space<vmem>>
      %dma_start3A_836 = arith.constant 0 : i32
      %dma_start3A_837 = tpu.memref_slice %arg4[%add3A_818, %mul3A_2, %dma_start3A_836] : memref<50x4096x128xf32, #tpu.memory_space<hbm>> -> memref<1x128x128xf32, #tpu.memory_space<hbm>>
      %dma_start3A_838 = tpu.memref_squeeze %dma_start3A_837 : memref<1x128x128xf32, #tpu.memory_space<hbm>> -> memref<128x128xf32, #tpu.memory_space<hbm>>
      %dma_start3A_839 = arith.constant 0 : i32
      %dma_start3A_840 = tpu.memref_slice %arg4[%add3A_818, %mul3A_2, %dma_start3A_839] : memref<50x4096x128xf32, #tpu.memory_space<hbm>> -> memref<1x128x128xf32, #tpu.memory_space<hbm>>
      %dma_start3A_841 = tpu.memref_squeeze %dma_start3A_840 : memref<1x128x128xf32, #tpu.memory_space<hbm>> -> memref<128x128xf32, #tpu.memory_space<hbm>>
      %dma_start3A_842 = arith.constant 0 : i32
      %dma_start3A_843 = arith.constant 0 : i32
      %dma_start3A_844 = tpu.memref_slice %arg6[%dma_start3A_831, %dma_start3A_842, %dma_start3A_843] : memref<7x128x128xf32, #tpu.memory_space<vmem>> -> memref<1x128x128xf32, #tpu.memory_space<vmem>>
      %dma_start3A_845 = tpu.memref_squeeze %dma_start3A_844 : memref<1x128x128xf32, #tpu.memory_space<vmem>> -> memref<128x128xf32, #tpu.memory_space<vmem>>
      tpu.enqueue_dma source(%dma_start3A_845 : memref<128x128xf32, #tpu.memory_space<vmem>>) target(%dma_start3A_841 : memref<128x128xf32, #tpu.memory_space<hbm>>) target_semaphore(%arg14 : memref<!tpu.dma_semaphore, #tpu.memory_space<semaphore_mem>>)
      %dma_wait3A_846 = arith.constant 6 : i32
      %dma_wait3A_847 = arith.constant 0 : i32
      %dma_wait3A_848 = arith.constant 0 : i32
      %dma_wait3A_849 = arith.constant 0 : i32
      %dma_wait3A_850 = tpu.memref_slice %arg6[%dma_wait3A_846, %dma_wait3A_848, %dma_wait3A_849] : memref<7x128x128xf32, #tpu.memory_space<vmem>> -> memref<1x128x128xf32, #tpu.memory_space<vmem>>
      %dma_wait3A_851 = tpu.memref_squeeze %dma_wait3A_850 : memref<1x128x128xf32, #tpu.memory_space<vmem>> -> memref<128x128xf32, #tpu.memory_space<vmem>>
      %dma_wait3A_852 = arith.constant 0 : i32
      %dma_wait3A_853 = tpu.memref_slice %arg4[%dma_wait3A_847, %mul3A_2, %dma_wait3A_852] : memref<50x4096x128xf32, #tpu.memory_space<hbm>> -> memref<1x128x128xf32, #tpu.memory_space<hbm>>
      %dma_wait3A_854 = tpu.memref_squeeze %dma_wait3A_853 : memref<1x128x128xf32, #tpu.memory_space<hbm>> -> memref<128x128xf32, #tpu.memory_space<hbm>>
      %dma_wait3A_855 = arith.constant 0 : i32
      %dma_wait3A_856 = tpu.memref_slice %arg4[%dma_wait3A_847, %mul3A_2, %dma_wait3A_855] : memref<50x4096x128xf32, #tpu.memory_space<hbm>> -> memref<1x128x128xf32, #tpu.memory_space<hbm>>
      %dma_wait3A_857 = tpu.memref_squeeze %dma_wait3A_856 : memref<1x128x128xf32, #tpu.memory_space<hbm>> -> memref<128x128xf32, #tpu.memory_space<hbm>>
      %dma_wait3A_858 = arith.constant 0 : i32
      %dma_wait3A_859 = arith.constant 0 : i32
      %dma_wait3A_860 = tpu.memref_slice %arg6[%dma_wait3A_846, %dma_wait3A_858, %dma_wait3A_859] : memref<7x128x128xf32, #tpu.memory_space<vmem>> -> memref<1x128x128xf32, #tpu.memory_space<vmem>>
      %dma_wait3A_861 = tpu.memref_squeeze %dma_wait3A_860 : memref<1x128x128xf32, #tpu.memory_space<vmem>> -> memref<128x128xf32, #tpu.memory_space<vmem>>
      tpu.wait_dma2 semaphore(%arg20 : memref<!tpu.dma_semaphore, #tpu.memory_space<semaphore_mem>>) src(%dma_wait3A_861 : memref<128x128xf32, #tpu.memory_space<vmem>>) dst(%dma_wait3A_857 : memref<128x128xf32, #tpu.memory_space<hbm>>)
      %add3A_862 = arith.constant 7 : i32
      %add3A_863 = arith.addi %add3A_818, %add3A_862 : i32
      %sub3A_864 = arith.constant 1 : i32
      %sub3A_865 = arith.subi %add3A_863, %sub3A_864 : i32
      %dma_start3A_866 = arith.constant 6 : i32
      %dma_start3A_867 = arith.constant 0 : i32
      %dma_start3A_868 = arith.constant 0 : i32
      %dma_start3A_869 = tpu.memref_slice %arg6[%dma_start3A_866, %dma_start3A_867, %dma_start3A_868] : memref<7x128x128xf32, #tpu.memory_space<vmem>> -> memref<1x128x128xf32, #tpu.memory_space<vmem>>
      %dma_start3A_870 = tpu.memref_squeeze %dma_start3A_869 : memref<1x128x128xf32, #tpu.memory_space<vmem>> -> memref<128x128xf32, #tpu.memory_space<vmem>>
      %dma_start3A_871 = arith.constant 0 : i32
      %dma_start3A_872 = tpu.memref_slice %arg5[%sub3A_865, %dma_start3A_871] : memref<50x128xi32, #tpu.memory_space<vmem>> -> memref<1x128xi32, #tpu.memory_space<vmem>>
      %dma_start3A_873 = tpu.memref_squeeze %dma_start3A_872 : memref<1x128xi32, #tpu.memory_space<vmem>> -> memref<128xi32, #tpu.memory_space<vmem>>
      %dma_start3A_874 = arith.constant 0 : i32
      %dma_start3A_875 = arith.constant 0 : i32
      %dma_start3A_876 = tpu.memref_slice %arg2[%dma_start3A_874, %dma_start3A_875] : memref<100000x128xf32, #tpu.memory_space<hbm>> -> memref<100000x128xf32, #tpu.memory_space<hbm>>
      tpu.enqueue_indirect_dma source(%dma_start3A_876 : memref<100000x128xf32, #tpu.memory_space<hbm>>) target(%dma_start3A_870 : memref<128x128xf32, #tpu.memory_space<vmem>>) offsets(%dma_start3A_873 : memref<128xi32, #tpu.memory_space<vmem>>) semaphore(%arg13 : memref<!tpu.dma_semaphore, #tpu.memory_space<semaphore_mem>>)
    }
    %scan3A_116 = arith.constant 6 : i32
    %dma_wait3A_117 = arith.constant 0 : i32
    %dma_wait3A_118 = arith.constant 1 : i32
    %dma_wait3A_119 = arith.constant 0 : i32
    %dma_wait3A_120 = arith.constant 0 : i32
    %dma_wait3A_121 = tpu.memref_slice %arg6[%dma_wait3A_118, %dma_wait3A_119, %dma_wait3A_120] : memref<7x128x128xf32, #tpu.memory_space<vmem>> -> memref<1x128x128xf32, #tpu.memory_space<vmem>>
    %dma_wait3A_122 = tpu.memref_squeeze %dma_wait3A_121 : memref<1x128x128xf32, #tpu.memory_space<vmem>> -> memref<128x128xf32, #tpu.memory_space<vmem>>
    %dma_wait3A_123 = arith.constant 0 : i32
    %dma_wait3A_124 = tpu.memref_slice %arg5[%dma_wait3A_117, %dma_wait3A_123] : memref<50x128xi32, #tpu.memory_space<vmem>> -> memref<1x128xi32, #tpu.memory_space<vmem>>
    %dma_wait3A_125 = tpu.memref_squeeze %dma_wait3A_124 : memref<1x128xi32, #tpu.memory_space<vmem>> -> memref<128xi32, #tpu.memory_space<vmem>>
    %dma_wait3A_126 = arith.constant 0 : i32
    %dma_wait3A_127 = arith.constant 0 : i32
    %dma_wait3A_128 = tpu.memref_slice %arg2[%dma_wait3A_126, %dma_wait3A_127] : memref<100000x128xf32, #tpu.memory_space<hbm>> -> memref<100000x128xf32, #tpu.memory_space<hbm>>
    tpu.wait_indirect_dma semaphore(%arg8 : memref<!tpu.dma_semaphore, #tpu.memory_space<semaphore_mem>>) src(%dma_wait3A_128 : memref<100000x128xf32, #tpu.memory_space<hbm>>) dst(%dma_wait3A_122 : memref<128x128xf32, #tpu.memory_space<vmem>>)
    %dma_start3A_129 = arith.constant 1 : i32
    %dma_start3A_130 = arith.constant 43 : i32
    %dma_start3A_131 = arith.constant 0 : i32
    %dma_start3A_132 = arith.constant 0 : i32
    %dma_start3A_133 = tpu.memref_slice %arg6[%dma_start3A_129, %dma_start3A_131, %dma_start3A_132] : memref<7x128x128xf32, #tpu.memory_space<vmem>> -> memref<1x128x128xf32, #tpu.memory_space<vmem>>
    %dma_start3A_134 = tpu.memref_squeeze %dma_start3A_133 : memref<1x128x128xf32, #tpu.memory_space<vmem>> -> memref<128x128xf32, #tpu.memory_space<vmem>>
    %dma_start3A_135 = arith.constant 0 : i32
    %dma_start3A_136 = tpu.memref_slice %arg4[%dma_start3A_130, %mul3A_2, %dma_start3A_135] : memref<50x4096x128xf32, #tpu.memory_space<hbm>> -> memref<1x128x128xf32, #tpu.memory_space<hbm>>
    %dma_start3A_137 = tpu.memref_squeeze %dma_start3A_136 : memref<1x128x128xf32, #tpu.memory_space<hbm>> -> memref<128x128xf32, #tpu.memory_space<hbm>>
    %dma_start3A_138 = arith.constant 0 : i32
    %dma_start3A_139 = tpu.memref_slice %arg4[%dma_start3A_130, %mul3A_2, %dma_start3A_138] : memref<50x4096x128xf32, #tpu.memory_space<hbm>> -> memref<1x128x128xf32, #tpu.memory_space<hbm>>
    %dma_start3A_140 = tpu.memref_squeeze %dma_start3A_139 : memref<1x128x128xf32, #tpu.memory_space<hbm>> -> memref<128x128xf32, #tpu.memory_space<hbm>>
    %dma_start3A_141 = arith.constant 0 : i32
    %dma_start3A_142 = arith.constant 0 : i32
    %dma_start3A_143 = tpu.memref_slice %arg6[%dma_start3A_129, %dma_start3A_141, %dma_start3A_142] : memref<7x128x128xf32, #tpu.memory_space<vmem>> -> memref<1x128x128xf32, #tpu.memory_space<vmem>>
    %dma_start3A_144 = tpu.memref_squeeze %dma_start3A_143 : memref<1x128x128xf32, #tpu.memory_space<vmem>> -> memref<128x128xf32, #tpu.memory_space<vmem>>
    tpu.enqueue_dma source(%dma_start3A_144 : memref<128x128xf32, #tpu.memory_space<vmem>>) target(%dma_start3A_140 : memref<128x128xf32, #tpu.memory_space<hbm>>) target_semaphore(%arg15 : memref<!tpu.dma_semaphore, #tpu.memory_space<semaphore_mem>>)
    %dma_wait3A_145 = arith.constant 0 : i32
    %dma_wait3A_146 = arith.constant 0 : i32
    %dma_wait3A_147 = arith.constant 0 : i32
    %dma_wait3A_148 = arith.constant 0 : i32
    %dma_wait3A_149 = tpu.memref_slice %arg6[%dma_wait3A_145, %dma_wait3A_147, %dma_wait3A_148] : memref<7x128x128xf32, #tpu.memory_space<vmem>> -> memref<1x128x128xf32, #tpu.memory_space<vmem>>
    %dma_wait3A_150 = tpu.memref_squeeze %dma_wait3A_149 : memref<1x128x128xf32, #tpu.memory_space<vmem>> -> memref<128x128xf32, #tpu.memory_space<vmem>>
    %dma_wait3A_151 = arith.constant 0 : i32
    %dma_wait3A_152 = tpu.memref_slice %arg4[%dma_wait3A_146, %mul3A_2, %dma_wait3A_151] : memref<50x4096x128xf32, #tpu.memory_space<hbm>> -> memref<1x128x128xf32, #tpu.memory_space<hbm>>
    %dma_wait3A_153 = tpu.memref_squeeze %dma_wait3A_152 : memref<1x128x128xf32, #tpu.memory_space<hbm>> -> memref<128x128xf32, #tpu.memory_space<hbm>>
    %dma_wait3A_154 = arith.constant 0 : i32
    %dma_wait3A_155 = tpu.memref_slice %arg4[%dma_wait3A_146, %mul3A_2, %dma_wait3A_154] : memref<50x4096x128xf32, #tpu.memory_space<hbm>> -> memref<1x128x128xf32, #tpu.memory_space<hbm>>
    %dma_wait3A_156 = tpu.memref_squeeze %dma_wait3A_155 : memref<1x128x128xf32, #tpu.memory_space<hbm>> -> memref<128x128xf32, #tpu.memory_space<hbm>>
    %dma_wait3A_157 = arith.constant 0 : i32
    %dma_wait3A_158 = arith.constant 0 : i32
    %dma_wait3A_159 = tpu.memref_slice %arg6[%dma_wait3A_145, %dma_wait3A_157, %dma_wait3A_158] : memref<7x128x128xf32, #tpu.memory_space<vmem>> -> memref<1x128x128xf32, #tpu.memory_space<vmem>>
    %dma_wait3A_160 = tpu.memref_squeeze %dma_wait3A_159 : memref<1x128x128xf32, #tpu.memory_space<vmem>> -> memref<128x128xf32, #tpu.memory_space<vmem>>
    tpu.wait_dma2 semaphore(%arg14 : memref<!tpu.dma_semaphore, #tpu.memory_space<semaphore_mem>>) src(%dma_wait3A_160 : memref<128x128xf32, #tpu.memory_space<vmem>>) dst(%dma_wait3A_156 : memref<128x128xf32, #tpu.memory_space<hbm>>)
    %dma_start3A_161 = arith.constant 49 : i32
    %dma_start3A_162 = arith.constant 0 : i32
    %dma_start3A_163 = arith.constant 0 : i32
    %dma_start3A_164 = arith.constant 0 : i32
    %dma_start3A_165 = tpu.memref_slice %arg6[%dma_start3A_162, %dma_start3A_163, %dma_start3A_164] : memref<7x128x128xf32, #tpu.memory_space<vmem>> -> memref<1x128x128xf32, #tpu.memory_space<vmem>>
    %dma_start3A_166 = tpu.memref_squeeze %dma_start3A_165 : memref<1x128x128xf32, #tpu.memory_space<vmem>> -> memref<128x128xf32, #tpu.memory_space<vmem>>
    %dma_start3A_167 = arith.constant 0 : i32
    %dma_start3A_168 = tpu.memref_slice %arg5[%dma_start3A_161, %dma_start3A_167] : memref<50x128xi32, #tpu.memory_space<vmem>> -> memref<1x128xi32, #tpu.memory_space<vmem>>
    %dma_start3A_169 = tpu.memref_squeeze %dma_start3A_168 : memref<1x128xi32, #tpu.memory_space<vmem>> -> memref<128xi32, #tpu.memory_space<vmem>>
    %dma_start3A_170 = arith.constant 0 : i32
    %dma_start3A_171 = arith.constant 0 : i32
    %dma_start3A_172 = tpu.memref_slice %arg2[%dma_start3A_170, %dma_start3A_171] : memref<100000x128xf32, #tpu.memory_space<hbm>> -> memref<100000x128xf32, #tpu.memory_space<hbm>>
    tpu.enqueue_indirect_dma source(%dma_start3A_172 : memref<100000x128xf32, #tpu.memory_space<hbm>>) target(%dma_start3A_166 : memref<128x128xf32, #tpu.memory_space<vmem>>) offsets(%dma_start3A_169 : memref<128xi32, #tpu.memory_space<vmem>>) semaphore(%arg7 : memref<!tpu.dma_semaphore, #tpu.memory_space<semaphore_mem>>)
    %dma_wait3A_173 = arith.constant 0 : i32
    %dma_wait3A_174 = arith.constant 2 : i32
    %dma_wait3A_175 = arith.constant 0 : i32
    %dma_wait3A_176 = arith.constant 0 : i32
    %dma_wait3A_177 = tpu.memref_slice %arg6[%dma_wait3A_174, %dma_wait3A_175, %dma_wait3A_176] : memref<7x128x128xf32, #tpu.memory_space<vmem>> -> memref<1x128x128xf32, #tpu.memory_space<vmem>>
    %dma_wait3A_178 = tpu.memref_squeeze %dma_wait3A_177 : memref<1x128x128xf32, #tpu.memory_space<vmem>> -> memref<128x128xf32, #tpu.memory_space<vmem>>
    %dma_wait3A_179 = arith.constant 0 : i32
    %dma_wait3A_180 = tpu.memref_slice %arg5[%dma_wait3A_173, %dma_wait3A_179] : memref<50x128xi32, #tpu.memory_space<vmem>> -> memref<1x128xi32, #tpu.memory_space<vmem>>
    %dma_wait3A_181 = tpu.memref_squeeze %dma_wait3A_180 : memref<1x128xi32, #tpu.memory_space<vmem>> -> memref<128xi32, #tpu.memory_space<vmem>>
    %dma_wait3A_182 = arith.constant 0 : i32
    %dma_wait3A_183 = arith.constant 0 : i32
    %dma_wait3A_184 = tpu.memref_slice %arg2[%dma_wait3A_182, %dma_wait3A_183] : memref<100000x128xf32, #tpu.memory_space<hbm>> -> memref<100000x128xf32, #tpu.memory_space<hbm>>
    tpu.wait_indirect_dma semaphore(%arg9 : memref<!tpu.dma_semaphore, #tpu.memory_space<semaphore_mem>>) src(%dma_wait3A_184 : memref<100000x128xf32, #tpu.memory_space<hbm>>) dst(%dma_wait3A_178 : memref<128x128xf32, #tpu.memory_space<vmem>>)
    %dma_start3A_185 = arith.constant 2 : i32
    %dma_start3A_186 = arith.constant 44 : i32
    %dma_start3A_187 = arith.constant 0 : i32
    %dma_start3A_188 = arith.constant 0 : i32
    %dma_start3A_189 = tpu.memref_slice %arg6[%dma_start3A_185, %dma_start3A_187, %dma_start3A_188] : memref<7x128x128xf32, #tpu.memory_space<vmem>> -> memref<1x128x128xf32, #tpu.memory_space<vmem>>
    %dma_start3A_190 = tpu.memref_squeeze %dma_start3A_189 : memref<1x128x128xf32, #tpu.memory_space<vmem>> -> memref<128x128xf32, #tpu.memory_space<vmem>>
    %dma_start3A_191 = arith.constant 0 : i32
    %dma_start3A_192 = tpu.memref_slice %arg4[%dma_start3A_186, %mul3A_2, %dma_start3A_191] : memref<50x4096x128xf32, #tpu.memory_space<hbm>> -> memref<1x128x128xf32, #tpu.memory_space<hbm>>
    %dma_start3A_193 = tpu.memref_squeeze %dma_start3A_192 : memref<1x128x128xf32, #tpu.memory_space<hbm>> -> memref<128x128xf32, #tpu.memory_space<hbm>>
    %dma_start3A_194 = arith.constant 0 : i32
    %dma_start3A_195 = tpu.memref_slice %arg4[%dma_start3A_186, %mul3A_2, %dma_start3A_194] : memref<50x4096x128xf32, #tpu.memory_space<hbm>> -> memref<1x128x128xf32, #tpu.memory_space<hbm>>
    %dma_start3A_196 = tpu.memref_squeeze %dma_start3A_195 : memref<1x128x128xf32, #tpu.memory_space<hbm>> -> memref<128x128xf32, #tpu.memory_space<hbm>>
    %dma_start3A_197 = arith.constant 0 : i32
    %dma_start3A_198 = arith.constant 0 : i32
    %dma_start3A_199 = tpu.memref_slice %arg6[%dma_start3A_185, %dma_start3A_197, %dma_start3A_198] : memref<7x128x128xf32, #tpu.memory_space<vmem>> -> memref<1x128x128xf32, #tpu.memory_space<vmem>>
    %dma_start3A_200 = tpu.memref_squeeze %dma_start3A_199 : memref<1x128x128xf32, #tpu.memory_space<vmem>> -> memref<128x128xf32, #tpu.memory_space<vmem>>
    tpu.enqueue_dma source(%dma_start3A_200 : memref<128x128xf32, #tpu.memory_space<vmem>>) target(%dma_start3A_196 : memref<128x128xf32, #tpu.memory_space<hbm>>) target_semaphore(%arg16 : memref<!tpu.dma_semaphore, #tpu.memory_space<semaphore_mem>>)
    %dma_wait3A_201 = arith.constant 0 : i32
    %dma_wait3A_202 = arith.constant 3 : i32
    %dma_wait3A_203 = arith.constant 0 : i32
    %dma_wait3A_204 = arith.constant 0 : i32
    %dma_wait3A_205 = tpu.memref_slice %arg6[%dma_wait3A_202, %dma_wait3A_203, %dma_wait3A_204] : memref<7x128x128xf32, #tpu.memory_space<vmem>> -> memref<1x128x128xf32, #tpu.memory_space<vmem>>
    %dma_wait3A_206 = tpu.memref_squeeze %dma_wait3A_205 : memref<1x128x128xf32, #tpu.memory_space<vmem>> -> memref<128x128xf32, #tpu.memory_space<vmem>>
    %dma_wait3A_207 = arith.constant 0 : i32
    %dma_wait3A_208 = tpu.memref_slice %arg5[%dma_wait3A_201, %dma_wait3A_207] : memref<50x128xi32, #tpu.memory_space<vmem>> -> memref<1x128xi32, #tpu.memory_space<vmem>>
    %dma_wait3A_209 = tpu.memref_squeeze %dma_wait3A_208 : memref<1x128xi32, #tpu.memory_space<vmem>> -> memref<128xi32, #tpu.memory_space<vmem>>
    %dma_wait3A_210 = arith.constant 0 : i32
    %dma_wait3A_211 = arith.constant 0 : i32
    %dma_wait3A_212 = tpu.memref_slice %arg2[%dma_wait3A_210, %dma_wait3A_211] : memref<100000x128xf32, #tpu.memory_space<hbm>> -> memref<100000x128xf32, #tpu.memory_space<hbm>>
    tpu.wait_indirect_dma semaphore(%arg10 : memref<!tpu.dma_semaphore, #tpu.memory_space<semaphore_mem>>) src(%dma_wait3A_212 : memref<100000x128xf32, #tpu.memory_space<hbm>>) dst(%dma_wait3A_206 : memref<128x128xf32, #tpu.memory_space<vmem>>)
    %dma_start3A_213 = arith.constant 3 : i32
    %dma_start3A_214 = arith.constant 45 : i32
    %dma_start3A_215 = arith.constant 0 : i32
    %dma_start3A_216 = arith.constant 0 : i32
    %dma_start3A_217 = tpu.memref_slice %arg6[%dma_start3A_213, %dma_start3A_215, %dma_start3A_216] : memref<7x128x128xf32, #tpu.memory_space<vmem>> -> memref<1x128x128xf32, #tpu.memory_space<vmem>>
    %dma_start3A_218 = tpu.memref_squeeze %dma_start3A_217 : memref<1x128x128xf32, #tpu.memory_space<vmem>> -> memref<128x128xf32, #tpu.memory_space<vmem>>
    %dma_start3A_219 = arith.constant 0 : i32
    %dma_start3A_220 = tpu.memref_slice %arg4[%dma_start3A_214, %mul3A_2, %dma_start3A_219] : memref<50x4096x128xf32, #tpu.memory_space<hbm>> -> memref<1x128x128xf32, #tpu.memory_space<hbm>>
    %dma_start3A_221 = tpu.memref_squeeze %dma_start3A_220 : memref<1x128x128xf32, #tpu.memory_space<hbm>> -> memref<128x128xf32, #tpu.memory_space<hbm>>
    %dma_start3A_222 = arith.constant 0 : i32
    %dma_start3A_223 = tpu.memref_slice %arg4[%dma_start3A_214, %mul3A_2, %dma_start3A_222] : memref<50x4096x128xf32, #tpu.memory_space<hbm>> -> memref<1x128x128xf32, #tpu.memory_space<hbm>>
    %dma_start3A_224 = tpu.memref_squeeze %dma_start3A_223 : memref<1x128x128xf32, #tpu.memory_space<hbm>> -> memref<128x128xf32, #tpu.memory_space<hbm>>
    %dma_start3A_225 = arith.constant 0 : i32
    %dma_start3A_226 = arith.constant 0 : i32
    %dma_start3A_227 = tpu.memref_slice %arg6[%dma_start3A_213, %dma_start3A_225, %dma_start3A_226] : memref<7x128x128xf32, #tpu.memory_space<vmem>> -> memref<1x128x128xf32, #tpu.memory_space<vmem>>
    %dma_start3A_228 = tpu.memref_squeeze %dma_start3A_227 : memref<1x128x128xf32, #tpu.memory_space<vmem>> -> memref<128x128xf32, #tpu.memory_space<vmem>>
    tpu.enqueue_dma source(%dma_start3A_228 : memref<128x128xf32, #tpu.memory_space<vmem>>) target(%dma_start3A_224 : memref<128x128xf32, #tpu.memory_space<hbm>>) target_semaphore(%arg17 : memref<!tpu.dma_semaphore, #tpu.memory_space<semaphore_mem>>)
    %dma_wait3A_229 = arith.constant 0 : i32
    %dma_wait3A_230 = arith.constant 4 : i32
    %dma_wait3A_231 = arith.constant 0 : i32
    %dma_wait3A_232 = arith.constant 0 : i32
    %dma_wait3A_233 = tpu.memref_slice %arg6[%dma_wait3A_230, %dma_wait3A_231, %dma_wait3A_232] : memref<7x128x128xf32, #tpu.memory_space<vmem>> -> memref<1x128x128xf32, #tpu.memory_space<vmem>>
    %dma_wait3A_234 = tpu.memref_squeeze %dma_wait3A_233 : memref<1x128x128xf32, #tpu.memory_space<vmem>> -> memref<128x128xf32, #tpu.memory_space<vmem>>
    %dma_wait3A_235 = arith.constant 0 : i32
    %dma_wait3A_236 = tpu.memref_slice %arg5[%dma_wait3A_229, %dma_wait3A_235] : memref<50x128xi32, #tpu.memory_space<vmem>> -> memref<1x128xi32, #tpu.memory_space<vmem>>
    %dma_wait3A_237 = tpu.memref_squeeze %dma_wait3A_236 : memref<1x128xi32, #tpu.memory_space<vmem>> -> memref<128xi32, #tpu.memory_space<vmem>>
    %dma_wait3A_238 = arith.constant 0 : i32
    %dma_wait3A_239 = arith.constant 0 : i32
    %dma_wait3A_240 = tpu.memref_slice %arg2[%dma_wait3A_238, %dma_wait3A_239] : memref<100000x128xf32, #tpu.memory_space<hbm>> -> memref<100000x128xf32, #tpu.memory_space<hbm>>
    tpu.wait_indirect_dma semaphore(%arg11 : memref<!tpu.dma_semaphore, #tpu.memory_space<semaphore_mem>>) src(%dma_wait3A_240 : memref<100000x128xf32, #tpu.memory_space<hbm>>) dst(%dma_wait3A_234 : memref<128x128xf32, #tpu.memory_space<vmem>>)
    %dma_start3A_241 = arith.constant 4 : i32
    %dma_start3A_242 = arith.constant 46 : i32
    %dma_start3A_243 = arith.constant 0 : i32
    %dma_start3A_244 = arith.constant 0 : i32
    %dma_start3A_245 = tpu.memref_slice %arg6[%dma_start3A_241, %dma_start3A_243, %dma_start3A_244] : memref<7x128x128xf32, #tpu.memory_space<vmem>> -> memref<1x128x128xf32, #tpu.memory_space<vmem>>
    %dma_start3A_246 = tpu.memref_squeeze %dma_start3A_245 : memref<1x128x128xf32, #tpu.memory_space<vmem>> -> memref<128x128xf32, #tpu.memory_space<vmem>>
    %dma_start3A_247 = arith.constant 0 : i32
    %dma_start3A_248 = tpu.memref_slice %arg4[%dma_start3A_242, %mul3A_2, %dma_start3A_247] : memref<50x4096x128xf32, #tpu.memory_space<hbm>> -> memref<1x128x128xf32, #tpu.memory_space<hbm>>
    %dma_start3A_249 = tpu.memref_squeeze %dma_start3A_248 : memref<1x128x128xf32, #tpu.memory_space<hbm>> -> memref<128x128xf32, #tpu.memory_space<hbm>>
    %dma_start3A_250 = arith.constant 0 : i32
    %dma_start3A_251 = tpu.memref_slice %arg4[%dma_start3A_242, %mul3A_2, %dma_start3A_250] : memref<50x4096x128xf32, #tpu.memory_space<hbm>> -> memref<1x128x128xf32, #tpu.memory_space<hbm>>
    %dma_start3A_252 = tpu.memref_squeeze %dma_start3A_251 : memref<1x128x128xf32, #tpu.memory_space<hbm>> -> memref<128x128xf32, #tpu.memory_space<hbm>>
    %dma_start3A_253 = arith.constant 0 : i32
    %dma_start3A_254 = arith.constant 0 : i32
    %dma_start3A_255 = tpu.memref_slice %arg6[%dma_start3A_241, %dma_start3A_253, %dma_start3A_254] : memref<7x128x128xf32, #tpu.memory_space<vmem>> -> memref<1x128x128xf32, #tpu.memory_space<vmem>>
    %dma_start3A_256 = tpu.memref_squeeze %dma_start3A_255 : memref<1x128x128xf32, #tpu.memory_space<vmem>> -> memref<128x128xf32, #tpu.memory_space<vmem>>
    tpu.enqueue_dma source(%dma_start3A_256 : memref<128x128xf32, #tpu.memory_space<vmem>>) target(%dma_start3A_252 : memref<128x128xf32, #tpu.memory_space<hbm>>) target_semaphore(%arg18 : memref<!tpu.dma_semaphore, #tpu.memory_space<semaphore_mem>>)
    %dma_wait3A_257 = arith.constant 0 : i32
    %dma_wait3A_258 = arith.constant 5 : i32
    %dma_wait3A_259 = arith.constant 0 : i32
    %dma_wait3A_260 = arith.constant 0 : i32
    %dma_wait3A_261 = tpu.memref_slice %arg6[%dma_wait3A_258, %dma_wait3A_259, %dma_wait3A_260] : memref<7x128x128xf32, #tpu.memory_space<vmem>> -> memref<1x128x128xf32, #tpu.memory_space<vmem>>
    %dma_wait3A_262 = tpu.memref_squeeze %dma_wait3A_261 : memref<1x128x128xf32, #tpu.memory_space<vmem>> -> memref<128x128xf32, #tpu.memory_space<vmem>>
    %dma_wait3A_263 = arith.constant 0 : i32
    %dma_wait3A_264 = tpu.memref_slice %arg5[%dma_wait3A_257, %dma_wait3A_263] : memref<50x128xi32, #tpu.memory_space<vmem>> -> memref<1x128xi32, #tpu.memory_space<vmem>>
    %dma_wait3A_265 = tpu.memref_squeeze %dma_wait3A_264 : memref<1x128xi32, #tpu.memory_space<vmem>> -> memref<128xi32, #tpu.memory_space<vmem>>
    %dma_wait3A_266 = arith.constant 0 : i32
    %dma_wait3A_267 = arith.constant 0 : i32
    %dma_wait3A_268 = tpu.memref_slice %arg2[%dma_wait3A_266, %dma_wait3A_267] : memref<100000x128xf32, #tpu.memory_space<hbm>> -> memref<100000x128xf32, #tpu.memory_space<hbm>>
    tpu.wait_indirect_dma semaphore(%arg12 : memref<!tpu.dma_semaphore, #tpu.memory_space<semaphore_mem>>) src(%dma_wait3A_268 : memref<100000x128xf32, #tpu.memory_space<hbm>>) dst(%dma_wait3A_262 : memref<128x128xf32, #tpu.memory_space<vmem>>)
    %dma_start3A_269 = arith.constant 5 : i32
    %dma_start3A_270 = arith.constant 47 : i32
    %dma_start3A_271 = arith.constant 0 : i32
    %dma_start3A_272 = arith.constant 0 : i32
    %dma_start3A_273 = tpu.memref_slice %arg6[%dma_start3A_269, %dma_start3A_271, %dma_start3A_272] : memref<7x128x128xf32, #tpu.memory_space<vmem>> -> memref<1x128x128xf32, #tpu.memory_space<vmem>>
    %dma_start3A_274 = tpu.memref_squeeze %dma_start3A_273 : memref<1x128x128xf32, #tpu.memory_space<vmem>> -> memref<128x128xf32, #tpu.memory_space<vmem>>
    %dma_start3A_275 = arith.constant 0 : i32
    %dma_start3A_276 = tpu.memref_slice %arg4[%dma_start3A_270, %mul3A_2, %dma_start3A_275] : memref<50x4096x128xf32, #tpu.memory_space<hbm>> -> memref<1x128x128xf32, #tpu.memory_space<hbm>>
    %dma_start3A_277 = tpu.memref_squeeze %dma_start3A_276 : memref<1x128x128xf32, #tpu.memory_space<hbm>> -> memref<128x128xf32, #tpu.memory_space<hbm>>
    %dma_start3A_278 = arith.constant 0 : i32
    %dma_start3A_279 = tpu.memref_slice %arg4[%dma_start3A_270, %mul3A_2, %dma_start3A_278] : memref<50x4096x128xf32, #tpu.memory_space<hbm>> -> memref<1x128x128xf32, #tpu.memory_space<hbm>>
    %dma_start3A_280 = tpu.memref_squeeze %dma_start3A_279 : memref<1x128x128xf32, #tpu.memory_space<hbm>> -> memref<128x128xf32, #tpu.memory_space<hbm>>
    %dma_start3A_281 = arith.constant 0 : i32
    %dma_start3A_282 = arith.constant 0 : i32
    %dma_start3A_283 = tpu.memref_slice %arg6[%dma_start3A_269, %dma_start3A_281, %dma_start3A_282] : memref<7x128x128xf32, #tpu.memory_space<vmem>> -> memref<1x128x128xf32, #tpu.memory_space<vmem>>
    %dma_start3A_284 = tpu.memref_squeeze %dma_start3A_283 : memref<1x128x128xf32, #tpu.memory_space<vmem>> -> memref<128x128xf32, #tpu.memory_space<vmem>>
    tpu.enqueue_dma source(%dma_start3A_284 : memref<128x128xf32, #tpu.memory_space<vmem>>) target(%dma_start3A_280 : memref<128x128xf32, #tpu.memory_space<hbm>>) target_semaphore(%arg19 : memref<!tpu.dma_semaphore, #tpu.memory_space<semaphore_mem>>)
    %dma_wait3A_285 = arith.constant 0 : i32
    %dma_wait3A_286 = arith.constant 6 : i32
    %dma_wait3A_287 = arith.constant 0 : i32
    %dma_wait3A_288 = arith.constant 0 : i32
    %dma_wait3A_289 = tpu.memref_slice %arg6[%dma_wait3A_286, %dma_wait3A_287, %dma_wait3A_288] : memref<7x128x128xf32, #tpu.memory_space<vmem>> -> memref<1x128x128xf32, #tpu.memory_space<vmem>>
    %dma_wait3A_290 = tpu.memref_squeeze %dma_wait3A_289 : memref<1x128x128xf32, #tpu.memory_space<vmem>> -> memref<128x128xf32, #tpu.memory_space<vmem>>
    %dma_wait3A_291 = arith.constant 0 : i32
    %dma_wait3A_292 = tpu.memref_slice %arg5[%dma_wait3A_285, %dma_wait3A_291] : memref<50x128xi32, #tpu.memory_space<vmem>> -> memref<1x128xi32, #tpu.memory_space<vmem>>
    %dma_wait3A_293 = tpu.memref_squeeze %dma_wait3A_292 : memref<1x128xi32, #tpu.memory_space<vmem>> -> memref<128xi32, #tpu.memory_space<vmem>>
    %dma_wait3A_294 = arith.constant 0 : i32
    %dma_wait3A_295 = arith.constant 0 : i32
    %dma_wait3A_296 = tpu.memref_slice %arg2[%dma_wait3A_294, %dma_wait3A_295] : memref<100000x128xf32, #tpu.memory_space<hbm>> -> memref<100000x128xf32, #tpu.memory_space<hbm>>
    tpu.wait_indirect_dma semaphore(%arg13 : memref<!tpu.dma_semaphore, #tpu.memory_space<semaphore_mem>>) src(%dma_wait3A_296 : memref<100000x128xf32, #tpu.memory_space<hbm>>) dst(%dma_wait3A_290 : memref<128x128xf32, #tpu.memory_space<vmem>>)
    %dma_start3A_297 = arith.constant 6 : i32
    %dma_start3A_298 = arith.constant 48 : i32
    %dma_start3A_299 = arith.constant 0 : i32
    %dma_start3A_300 = arith.constant 0 : i32
    %dma_start3A_301 = tpu.memref_slice %arg6[%dma_start3A_297, %dma_start3A_299, %dma_start3A_300] : memref<7x128x128xf32, #tpu.memory_space<vmem>> -> memref<1x128x128xf32, #tpu.memory_space<vmem>>
    %dma_start3A_302 = tpu.memref_squeeze %dma_start3A_301 : memref<1x128x128xf32, #tpu.memory_space<vmem>> -> memref<128x128xf32, #tpu.memory_space<vmem>>
    %dma_start3A_303 = arith.constant 0 : i32
    %dma_start3A_304 = tpu.memref_slice %arg4[%dma_start3A_298, %mul3A_2, %dma_start3A_303] : memref<50x4096x128xf32, #tpu.memory_space<hbm>> -> memref<1x128x128xf32, #tpu.memory_space<hbm>>
    %dma_start3A_305 = tpu.memref_squeeze %dma_start3A_304 : memref<1x128x128xf32, #tpu.memory_space<hbm>> -> memref<128x128xf32, #tpu.memory_space<hbm>>
    %dma_start3A_306 = arith.constant 0 : i32
    %dma_start3A_307 = tpu.memref_slice %arg4[%dma_start3A_298, %mul3A_2, %dma_start3A_306] : memref<50x4096x128xf32, #tpu.memory_space<hbm>> -> memref<1x128x128xf32, #tpu.memory_space<hbm>>
    %dma_start3A_308 = tpu.memref_squeeze %dma_start3A_307 : memref<1x128x128xf32, #tpu.memory_space<hbm>> -> memref<128x128xf32, #tpu.memory_space<hbm>>
    %dma_start3A_309 = arith.constant 0 : i32
    %dma_start3A_310 = arith.constant 0 : i32
    %dma_start3A_311 = tpu.memref_slice %arg6[%dma_start3A_297, %dma_start3A_309, %dma_start3A_310] : memref<7x128x128xf32, #tpu.memory_space<vmem>> -> memref<1x128x128xf32, #tpu.memory_space<vmem>>
    %dma_start3A_312 = tpu.memref_squeeze %dma_start3A_311 : memref<1x128x128xf32, #tpu.memory_space<vmem>> -> memref<128x128xf32, #tpu.memory_space<vmem>>
    tpu.enqueue_dma source(%dma_start3A_312 : memref<128x128xf32, #tpu.memory_space<vmem>>) target(%dma_start3A_308 : memref<128x128xf32, #tpu.memory_space<hbm>>) target_semaphore(%arg20 : memref<!tpu.dma_semaphore, #tpu.memory_space<semaphore_mem>>)
    %dma_wait3A_313 = arith.constant 0 : i32
    %dma_wait3A_314 = arith.constant 0 : i32
    %dma_wait3A_315 = arith.constant 0 : i32
    %dma_wait3A_316 = arith.constant 0 : i32
    %dma_wait3A_317 = tpu.memref_slice %arg6[%dma_wait3A_314, %dma_wait3A_315, %dma_wait3A_316] : memref<7x128x128xf32, #tpu.memory_space<vmem>> -> memref<1x128x128xf32, #tpu.memory_space<vmem>>
    %dma_wait3A_318 = tpu.memref_squeeze %dma_wait3A_317 : memref<1x128x128xf32, #tpu.memory_space<vmem>> -> memref<128x128xf32, #tpu.memory_space<vmem>>
    %dma_wait3A_319 = arith.constant 0 : i32
    %dma_wait3A_320 = tpu.memref_slice %arg5[%dma_wait3A_313, %dma_wait3A_319] : memref<50x128xi32, #tpu.memory_space<vmem>> -> memref<1x128xi32, #tpu.memory_space<vmem>>
    %dma_wait3A_321 = tpu.memref_squeeze %dma_wait3A_320 : memref<1x128xi32, #tpu.memory_space<vmem>> -> memref<128xi32, #tpu.memory_space<vmem>>
    %dma_wait3A_322 = arith.constant 0 : i32
    %dma_wait3A_323 = arith.constant 0 : i32
    %dma_wait3A_324 = tpu.memref_slice %arg2[%dma_wait3A_322, %dma_wait3A_323] : memref<100000x128xf32, #tpu.memory_space<hbm>> -> memref<100000x128xf32, #tpu.memory_space<hbm>>
    tpu.wait_indirect_dma semaphore(%arg7 : memref<!tpu.dma_semaphore, #tpu.memory_space<semaphore_mem>>) src(%dma_wait3A_324 : memref<100000x128xf32, #tpu.memory_space<hbm>>) dst(%dma_wait3A_318 : memref<128x128xf32, #tpu.memory_space<vmem>>)
    %dma_start3A_325 = arith.constant 0 : i32
    %dma_start3A_326 = arith.constant 49 : i32
    %dma_start3A_327 = arith.constant 0 : i32
    %dma_start3A_328 = arith.constant 0 : i32
    %dma_start3A_329 = tpu.memref_slice %arg6[%dma_start3A_325, %dma_start3A_327, %dma_start3A_328] : memref<7x128x128xf32, #tpu.memory_space<vmem>> -> memref<1x128x128xf32, #tpu.memory_space<vmem>>
    %dma_start3A_330 = tpu.memref_squeeze %dma_start3A_329 : memref<1x128x128xf32, #tpu.memory_space<vmem>> -> memref<128x128xf32, #tpu.memory_space<vmem>>
    %dma_start3A_331 = arith.constant 0 : i32
    %dma_start3A_332 = tpu.memref_slice %arg4[%dma_start3A_326, %mul3A_2, %dma_start3A_331] : memref<50x4096x128xf32, #tpu.memory_space<hbm>> -> memref<1x128x128xf32, #tpu.memory_space<hbm>>
    %dma_start3A_333 = tpu.memref_squeeze %dma_start3A_332 : memref<1x128x128xf32, #tpu.memory_space<hbm>> -> memref<128x128xf32, #tpu.memory_space<hbm>>
    %dma_start3A_334 = arith.constant 0 : i32
    %dma_start3A_335 = tpu.memref_slice %arg4[%dma_start3A_326, %mul3A_2, %dma_start3A_334] : memref<50x4096x128xf32, #tpu.memory_space<hbm>> -> memref<1x128x128xf32, #tpu.memory_space<hbm>>
    %dma_start3A_336 = tpu.memref_squeeze %dma_start3A_335 : memref<1x128x128xf32, #tpu.memory_space<hbm>> -> memref<128x128xf32, #tpu.memory_space<hbm>>
    %dma_start3A_337 = arith.constant 0 : i32
    %dma_start3A_338 = arith.constant 0 : i32
    %dma_start3A_339 = tpu.memref_slice %arg6[%dma_start3A_325, %dma_start3A_337, %dma_start3A_338] : memref<7x128x128xf32, #tpu.memory_space<vmem>> -> memref<1x128x128xf32, #tpu.memory_space<vmem>>
    %dma_start3A_340 = tpu.memref_squeeze %dma_start3A_339 : memref<1x128x128xf32, #tpu.memory_space<vmem>> -> memref<128x128xf32, #tpu.memory_space<vmem>>
    tpu.enqueue_dma source(%dma_start3A_340 : memref<128x128xf32, #tpu.memory_space<vmem>>) target(%dma_start3A_336 : memref<128x128xf32, #tpu.memory_space<hbm>>) target_semaphore(%arg14 : memref<!tpu.dma_semaphore, #tpu.memory_space<semaphore_mem>>)
    %dma_wait3A_341 = arith.constant 1 : i32
    %dma_wait3A_342 = arith.constant 0 : i32
    %dma_wait3A_343 = arith.constant 0 : i32
    %dma_wait3A_344 = arith.constant 0 : i32
    %dma_wait3A_345 = tpu.memref_slice %arg6[%dma_wait3A_341, %dma_wait3A_343, %dma_wait3A_344] : memref<7x128x128xf32, #tpu.memory_space<vmem>> -> memref<1x128x128xf32, #tpu.memory_space<vmem>>
    %dma_wait3A_346 = tpu.memref_squeeze %dma_wait3A_345 : memref<1x128x128xf32, #tpu.memory_space<vmem>> -> memref<128x128xf32, #tpu.memory_space<vmem>>
    %dma_wait3A_347 = arith.constant 0 : i32
    %dma_wait3A_348 = tpu.memref_slice %arg4[%dma_wait3A_342, %mul3A_2, %dma_wait3A_347] : memref<50x4096x128xf32, #tpu.memory_space<hbm>> -> memref<1x128x128xf32, #tpu.memory_space<hbm>>
    %dma_wait3A_349 = tpu.memref_squeeze %dma_wait3A_348 : memref<1x128x128xf32, #tpu.memory_space<hbm>> -> memref<128x128xf32, #tpu.memory_space<hbm>>
    %dma_wait3A_350 = arith.constant 0 : i32
    %dma_wait3A_351 = tpu.memref_slice %arg4[%dma_wait3A_342, %mul3A_2, %dma_wait3A_350] : memref<50x4096x128xf32, #tpu.memory_space<hbm>> -> memref<1x128x128xf32, #tpu.memory_space<hbm>>
    %dma_wait3A_352 = tpu.memref_squeeze %dma_wait3A_351 : memref<1x128x128xf32, #tpu.memory_space<hbm>> -> memref<128x128xf32, #tpu.memory_space<hbm>>
    %dma_wait3A_353 = arith.constant 0 : i32
    %dma_wait3A_354 = arith.constant 0 : i32
    %dma_wait3A_355 = tpu.memref_slice %arg6[%dma_wait3A_341, %dma_wait3A_353, %dma_wait3A_354] : memref<7x128x128xf32, #tpu.memory_space<vmem>> -> memref<1x128x128xf32, #tpu.memory_space<vmem>>
    %dma_wait3A_356 = tpu.memref_squeeze %dma_wait3A_355 : memref<1x128x128xf32, #tpu.memory_space<vmem>> -> memref<128x128xf32, #tpu.memory_space<vmem>>
    tpu.wait_dma2 semaphore(%arg15 : memref<!tpu.dma_semaphore, #tpu.memory_space<semaphore_mem>>) src(%dma_wait3A_356 : memref<128x128xf32, #tpu.memory_space<vmem>>) dst(%dma_wait3A_352 : memref<128x128xf32, #tpu.memory_space<hbm>>)
    %dma_wait3A_357 = arith.constant 2 : i32
    %dma_wait3A_358 = arith.constant 0 : i32
    %dma_wait3A_359 = arith.constant 0 : i32
    %dma_wait3A_360 = arith.constant 0 : i32
    %dma_wait3A_361 = tpu.memref_slice %arg6[%dma_wait3A_357, %dma_wait3A_359, %dma_wait3A_360] : memref<7x128x128xf32, #tpu.memory_space<vmem>> -> memref<1x128x128xf32, #tpu.memory_space<vmem>>
    %dma_wait3A_362 = tpu.memref_squeeze %dma_wait3A_361 : memref<1x128x128xf32, #tpu.memory_space<vmem>> -> memref<128x128xf32, #tpu.memory_space<vmem>>
    %dma_wait3A_363 = arith.constant 0 : i32
    %dma_wait3A_364 = tpu.memref_slice %arg4[%dma_wait3A_358, %mul3A_2, %dma_wait3A_363] : memref<50x4096x128xf32, #tpu.memory_space<hbm>> -> memref<1x128x128xf32, #tpu.memory_space<hbm>>
    %dma_wait3A_365 = tpu.memref_squeeze %dma_wait3A_364 : memref<1x128x128xf32, #tpu.memory_space<hbm>> -> memref<128x128xf32, #tpu.memory_space<hbm>>
    %dma_wait3A_366 = arith.constant 0 : i32
    %dma_wait3A_367 = tpu.memref_slice %arg4[%dma_wait3A_358, %mul3A_2, %dma_wait3A_366] : memref<50x4096x128xf32, #tpu.memory_space<hbm>> -> memref<1x128x128xf32, #tpu.memory_space<hbm>>
    %dma_wait3A_368 = tpu.memref_squeeze %dma_wait3A_367 : memref<1x128x128xf32, #tpu.memory_space<hbm>> -> memref<128x128xf32, #tpu.memory_space<hbm>>
    %dma_wait3A_369 = arith.constant 0 : i32
    %dma_wait3A_370 = arith.constant 0 : i32
    %dma_wait3A_371 = tpu.memref_slice %arg6[%dma_wait3A_357, %dma_wait3A_369, %dma_wait3A_370] : memref<7x128x128xf32, #tpu.memory_space<vmem>> -> memref<1x128x128xf32, #tpu.memory_space<vmem>>
    %dma_wait3A_372 = tpu.memref_squeeze %dma_wait3A_371 : memref<1x128x128xf32, #tpu.memory_space<vmem>> -> memref<128x128xf32, #tpu.memory_space<vmem>>
    tpu.wait_dma2 semaphore(%arg16 : memref<!tpu.dma_semaphore, #tpu.memory_space<semaphore_mem>>) src(%dma_wait3A_372 : memref<128x128xf32, #tpu.memory_space<vmem>>) dst(%dma_wait3A_368 : memref<128x128xf32, #tpu.memory_space<hbm>>)
    %dma_wait3A_373 = arith.constant 3 : i32
    %dma_wait3A_374 = arith.constant 0 : i32
    %dma_wait3A_375 = arith.constant 0 : i32
    %dma_wait3A_376 = arith.constant 0 : i32
    %dma_wait3A_377 = tpu.memref_slice %arg6[%dma_wait3A_373, %dma_wait3A_375, %dma_wait3A_376] : memref<7x128x128xf32, #tpu.memory_space<vmem>> -> memref<1x128x128xf32, #tpu.memory_space<vmem>>
    %dma_wait3A_378 = tpu.memref_squeeze %dma_wait3A_377 : memref<1x128x128xf32, #tpu.memory_space<vmem>> -> memref<128x128xf32, #tpu.memory_space<vmem>>
    %dma_wait3A_379 = arith.constant 0 : i32
    %dma_wait3A_380 = tpu.memref_slice %arg4[%dma_wait3A_374, %mul3A_2, %dma_wait3A_379] : memref<50x4096x128xf32, #tpu.memory_space<hbm>> -> memref<1x128x128xf32, #tpu.memory_space<hbm>>
    %dma_wait3A_381 = tpu.memref_squeeze %dma_wait3A_380 : memref<1x128x128xf32, #tpu.memory_space<hbm>> -> memref<128x128xf32, #tpu.memory_space<hbm>>
    %dma_wait3A_382 = arith.constant 0 : i32
    %dma_wait3A_383 = tpu.memref_slice %arg4[%dma_wait3A_374, %mul3A_2, %dma_wait3A_382] : memref<50x4096x128xf32, #tpu.memory_space<hbm>> -> memref<1x128x128xf32, #tpu.memory_space<hbm>>
    %dma_wait3A_384 = tpu.memref_squeeze %dma_wait3A_383 : memref<1x128x128xf32, #tpu.memory_space<hbm>> -> memref<128x128xf32, #tpu.memory_space<hbm>>
    %dma_wait3A_385 = arith.constant 0 : i32
    %dma_wait3A_386 = arith.constant 0 : i32
    %dma_wait3A_387 = tpu.memref_slice %arg6[%dma_wait3A_373, %dma_wait3A_385, %dma_wait3A_386] : memref<7x128x128xf32, #tpu.memory_space<vmem>> -> memref<1x128x128xf32, #tpu.memory_space<vmem>>
    %dma_wait3A_388 = tpu.memref_squeeze %dma_wait3A_387 : memref<1x128x128xf32, #tpu.memory_space<vmem>> -> memref<128x128xf32, #tpu.memory_space<vmem>>
    tpu.wait_dma2 semaphore(%arg17 : memref<!tpu.dma_semaphore, #tpu.memory_space<semaphore_mem>>) src(%dma_wait3A_388 : memref<128x128xf32, #tpu.memory_space<vmem>>) dst(%dma_wait3A_384 : memref<128x128xf32, #tpu.memory_space<hbm>>)
    %dma_wait3A_389 = arith.constant 4 : i32
    %dma_wait3A_390 = arith.constant 0 : i32
    %dma_wait3A_391 = arith.constant 0 : i32
    %dma_wait3A_392 = arith.constant 0 : i32
    %dma_wait3A_393 = tpu.memref_slice %arg6[%dma_wait3A_389, %dma_wait3A_391, %dma_wait3A_392] : memref<7x128x128xf32, #tpu.memory_space<vmem>> -> memref<1x128x128xf32, #tpu.memory_space<vmem>>
    %dma_wait3A_394 = tpu.memref_squeeze %dma_wait3A_393 : memref<1x128x128xf32, #tpu.memory_space<vmem>> -> memref<128x128xf32, #tpu.memory_space<vmem>>
    %dma_wait3A_395 = arith.constant 0 : i32
    %dma_wait3A_396 = tpu.memref_slice %arg4[%dma_wait3A_390, %mul3A_2, %dma_wait3A_395] : memref<50x4096x128xf32, #tpu.memory_space<hbm>> -> memref<1x128x128xf32, #tpu.memory_space<hbm>>
    %dma_wait3A_397 = tpu.memref_squeeze %dma_wait3A_396 : memref<1x128x128xf32, #tpu.memory_space<hbm>> -> memref<128x128xf32, #tpu.memory_space<hbm>>
    %dma_wait3A_398 = arith.constant 0 : i32
    %dma_wait3A_399 = tpu.memref_slice %arg4[%dma_wait3A_390, %mul3A_2, %dma_wait3A_398] : memref<50x4096x128xf32, #tpu.memory_space<hbm>> -> memref<1x128x128xf32, #tpu.memory_space<hbm>>
    %dma_wait3A_400 = tpu.memref_squeeze %dma_wait3A_399 : memref<1x128x128xf32, #tpu.memory_space<hbm>> -> memref<128x128xf32, #tpu.memory_space<hbm>>
    %dma_wait3A_401 = arith.constant 0 : i32
    %dma_wait3A_402 = arith.constant 0 : i32
    %dma_wait3A_403 = tpu.memref_slice %arg6[%dma_wait3A_389, %dma_wait3A_401, %dma_wait3A_402] : memref<7x128x128xf32, #tpu.memory_space<vmem>> -> memref<1x128x128xf32, #tpu.memory_space<vmem>>
    %dma_wait3A_404 = tpu.memref_squeeze %dma_wait3A_403 : memref<1x128x128xf32, #tpu.memory_space<vmem>> -> memref<128x128xf32, #tpu.memory_space<vmem>>
    tpu.wait_dma2 semaphore(%arg18 : memref<!tpu.dma_semaphore, #tpu.memory_space<semaphore_mem>>) src(%dma_wait3A_404 : memref<128x128xf32, #tpu.memory_space<vmem>>) dst(%dma_wait3A_400 : memref<128x128xf32, #tpu.memory_space<hbm>>)
    %dma_wait3A_405 = arith.constant 5 : i32
    %dma_wait3A_406 = arith.constant 0 : i32
    %dma_wait3A_407 = arith.constant 0 : i32
    %dma_wait3A_408 = arith.constant 0 : i32
    %dma_wait3A_409 = tpu.memref_slice %arg6[%dma_wait3A_405, %dma_wait3A_407, %dma_wait3A_408] : memref<7x128x128xf32, #tpu.memory_space<vmem>> -> memref<1x128x128xf32, #tpu.memory_space<vmem>>
    %dma_wait3A_410 = tpu.memref_squeeze %dma_wait3A_409 : memref<1x128x128xf32, #tpu.memory_space<vmem>> -> memref<128x128xf32, #tpu.memory_space<vmem>>
    %dma_wait3A_411 = arith.constant 0 : i32
    %dma_wait3A_412 = tpu.memref_slice %arg4[%dma_wait3A_406, %mul3A_2, %dma_wait3A_411] : memref<50x4096x128xf32, #tpu.memory_space<hbm>> -> memref<1x128x128xf32, #tpu.memory_space<hbm>>
    %dma_wait3A_413 = tpu.memref_squeeze %dma_wait3A_412 : memref<1x128x128xf32, #tpu.memory_space<hbm>> -> memref<128x128xf32, #tpu.memory_space<hbm>>
    %dma_wait3A_414 = arith.constant 0 : i32
    %dma_wait3A_415 = tpu.memref_slice %arg4[%dma_wait3A_406, %mul3A_2, %dma_wait3A_414] : memref<50x4096x128xf32, #tpu.memory_space<hbm>> -> memref<1x128x128xf32, #tpu.memory_space<hbm>>
    %dma_wait3A_416 = tpu.memref_squeeze %dma_wait3A_415 : memref<1x128x128xf32, #tpu.memory_space<hbm>> -> memref<128x128xf32, #tpu.memory_space<hbm>>
    %dma_wait3A_417 = arith.constant 0 : i32
    %dma_wait3A_418 = arith.constant 0 : i32
    %dma_wait3A_419 = tpu.memref_slice %arg6[%dma_wait3A_405, %dma_wait3A_417, %dma_wait3A_418] : memref<7x128x128xf32, #tpu.memory_space<vmem>> -> memref<1x128x128xf32, #tpu.memory_space<vmem>>
    %dma_wait3A_420 = tpu.memref_squeeze %dma_wait3A_419 : memref<1x128x128xf32, #tpu.memory_space<vmem>> -> memref<128x128xf32, #tpu.memory_space<vmem>>
    tpu.wait_dma2 semaphore(%arg19 : memref<!tpu.dma_semaphore, #tpu.memory_space<semaphore_mem>>) src(%dma_wait3A_420 : memref<128x128xf32, #tpu.memory_space<vmem>>) dst(%dma_wait3A_416 : memref<128x128xf32, #tpu.memory_space<hbm>>)
    %dma_wait3A_421 = arith.constant 6 : i32
    %dma_wait3A_422 = arith.constant 0 : i32
    %dma_wait3A_423 = arith.constant 0 : i32
    %dma_wait3A_424 = arith.constant 0 : i32
    %dma_wait3A_425 = tpu.memref_slice %arg6[%dma_wait3A_421, %dma_wait3A_423, %dma_wait3A_424] : memref<7x128x128xf32, #tpu.memory_space<vmem>> -> memref<1x128x128xf32, #tpu.memory_space<vmem>>
    %dma_wait3A_426 = tpu.memref_squeeze %dma_wait3A_425 : memref<1x128x128xf32, #tpu.memory_space<vmem>> -> memref<128x128xf32, #tpu.memory_space<vmem>>
    %dma_wait3A_427 = arith.constant 0 : i32
    %dma_wait3A_428 = tpu.memref_slice %arg4[%dma_wait3A_422, %mul3A_2, %dma_wait3A_427] : memref<50x4096x128xf32, #tpu.memory_space<hbm>> -> memref<1x128x128xf32, #tpu.memory_space<hbm>>
    %dma_wait3A_429 = tpu.memref_squeeze %dma_wait3A_428 : memref<1x128x128xf32, #tpu.memory_space<hbm>> -> memref<128x128xf32, #tpu.memory_space<hbm>>
    %dma_wait3A_430 = arith.constant 0 : i32
    %dma_wait3A_431 = tpu.memref_slice %arg4[%dma_wait3A_422, %mul3A_2, %dma_wait3A_430] : memref<50x4096x128xf32, #tpu.memory_space<hbm>> -> memref<1x128x128xf32, #tpu.memory_space<hbm>>
    %dma_wait3A_432 = tpu.memref_squeeze %dma_wait3A_431 : memref<1x128x128xf32, #tpu.memory_space<hbm>> -> memref<128x128xf32, #tpu.memory_space<hbm>>
    %dma_wait3A_433 = arith.constant 0 : i32
    %dma_wait3A_434 = arith.constant 0 : i32
    %dma_wait3A_435 = tpu.memref_slice %arg6[%dma_wait3A_421, %dma_wait3A_433, %dma_wait3A_434] : memref<7x128x128xf32, #tpu.memory_space<vmem>> -> memref<1x128x128xf32, #tpu.memory_space<vmem>>
    %dma_wait3A_436 = tpu.memref_squeeze %dma_wait3A_435 : memref<1x128x128xf32, #tpu.memory_space<vmem>> -> memref<128x128xf32, #tpu.memory_space<vmem>>
    tpu.wait_dma2 semaphore(%arg20 : memref<!tpu.dma_semaphore, #tpu.memory_space<semaphore_mem>>) src(%dma_wait3A_436 : memref<128x128xf32, #tpu.memory_space<vmem>>) dst(%dma_wait3A_432 : memref<128x128xf32, #tpu.memory_space<hbm>>)
    %dma_wait3A_437 = arith.constant 0 : i32
    %dma_wait3A_438 = arith.constant 0 : i32
    %dma_wait3A_439 = arith.constant 0 : i32
    %dma_wait3A_440 = arith.constant 0 : i32
    %dma_wait3A_441 = tpu.memref_slice %arg6[%dma_wait3A_437, %dma_wait3A_439, %dma_wait3A_440] : memref<7x128x128xf32, #tpu.memory_space<vmem>> -> memref<1x128x128xf32, #tpu.memory_space<vmem>>
    %dma_wait3A_442 = tpu.memref_squeeze %dma_wait3A_441 : memref<1x128x128xf32, #tpu.memory_space<vmem>> -> memref<128x128xf32, #tpu.memory_space<vmem>>
    %dma_wait3A_443 = arith.constant 0 : i32
    %dma_wait3A_444 = tpu.memref_slice %arg4[%dma_wait3A_438, %mul3A_2, %dma_wait3A_443] : memref<50x4096x128xf32, #tpu.memory_space<hbm>> -> memref<1x128x128xf32, #tpu.memory_space<hbm>>
    %dma_wait3A_445 = tpu.memref_squeeze %dma_wait3A_444 : memref<1x128x128xf32, #tpu.memory_space<hbm>> -> memref<128x128xf32, #tpu.memory_space<hbm>>
    %dma_wait3A_446 = arith.constant 0 : i32
    %dma_wait3A_447 = tpu.memref_slice %arg4[%dma_wait3A_438, %mul3A_2, %dma_wait3A_446] : memref<50x4096x128xf32, #tpu.memory_space<hbm>> -> memref<1x128x128xf32, #tpu.memory_space<hbm>>
    %dma_wait3A_448 = tpu.memref_squeeze %dma_wait3A_447 : memref<1x128x128xf32, #tpu.memory_space<hbm>> -> memref<128x128xf32, #tpu.memory_space<hbm>>
    %dma_wait3A_449 = arith.constant 0 : i32
    %dma_wait3A_450 = arith.constant 0 : i32
    %dma_wait3A_451 = tpu.memref_slice %arg6[%dma_wait3A_437, %dma_wait3A_449, %dma_wait3A_450] : memref<7x128x128xf32, #tpu.memory_space<vmem>> -> memref<1x128x128xf32, #tpu.memory_space<vmem>>
    %dma_wait3A_452 = tpu.memref_squeeze %dma_wait3A_451 : memref<1x128x128xf32, #tpu.memory_space<vmem>> -> memref<128x128xf32, #tpu.memory_space<vmem>>
    tpu.wait_dma2 semaphore(%arg14 : memref<!tpu.dma_semaphore, #tpu.memory_space<semaphore_mem>>) src(%dma_wait3A_452 : memref<128x128xf32, #tpu.memory_space<vmem>>) dst(%dma_wait3A_448 : memref<128x128xf32, #tpu.memory_space<hbm>>)
    return
  }
}

</mosaic_0001>

<sc_bundles>
// kernel: kernel.3.cloned.1.call-start
scs
__scs_entry_jumppad:
0x0: {  	(pc) =	sbr.rel $0x88, $3  }
0x1: {  	(tag) =	ssettag $0x0;
	lr =	simm.s32 $0x1  }
0x2: {  	[smem:$0x3F9F] =	sst lr;
	_ =	strace $0xD0000000  }
0x3: {  	_ = 	snop  }
0x4: {  	_ = 	snop  }
0x5: {  	_ = 	snop  }
0x6: {  	_ = 	snop  }
0x7: {  	_ = 	snop  }
__scs_overlays_trampoline_lowered:
0x8: {  	[smem:$0x3FAE] =	sst s0  }
0x9: {  	[smem:$0x3FAF] =	sst s1  }
0xa: {  	[smem:$0x3FB0] =	sst s2  }
0xb: {  	[smem:$0x3FB1] =	sst s3  }
0xc: {  	[smem:$0x3FB2] =	sst s4  }
0xd: {  	[smem:$0x3FB3] =	sst s5  }
0xe: {  	[smem:$0x3FB4] =	sst s6  }
0xf: {  	[smem:$0x3FB5] =	sst s7  }
0x10: {  	[smem:$0x3FB6] =	sst s8  }
0x11: {  	[smem:$0x3FB7] =	sst s9;
	s0 =	simm.s32 @!p0 $0x0  }
0x12: {  	s1 =	sld [smem:$0x3F9D];
	s0 =	simm.s32 @p0 $0x1  }
0x13: {  	[smem:$0x3FB8] =	sst s0;
	s0 =	simm.s32 @!p1 $0x0  }
0x14: {  	s2 =	sld [smem:$0x3F9C];
	s0 =	simm.s32 @p1 $0x1  }
0x15: {  	[smem:$0x3FB9] =	sst s0;
	s0 =	simm.s32 @!p2 $0x0  }
0x16: {  	s3 =	sld [smem:$0x3FDB];
	s0 =	simm.s32 @p2 $0x1  }
0x17: {  	s4 =	simm.s32 $0x1BF5;
	[smem:$0x3FBB] =	sst s0  }
0x18: {  	s0 =	sld [smem:$0x3F9E];
	_ =	swait.ge [sflag:s4], $0x0  }
0x19: {  	s7 =	sld [smem:$0x3F9F]  }
0x1a: {  	s8 =	sadd.s32 $0xFFFFE003, lr  }
0x1b: {  	s9 =	sadd.s32 $0xFFFFFEF7, lr;
	s5 =	simm.s32 $0xFFFFFFFF;
	p2 =	slt.u32 s8, $0xFFFFF086  }
0x1c: {  	p1 =	slt.u32 s9, $0xF7A;
	s5 =	simm.s32 @!p2 $0x0  }
0x1d: {  	s5 =	simm.s32 @p1 $0x1;
	p0 =	seq.s32 s7, s2  }
0x1e: {  	s7 =	smul.u32 @!p0 $0xF7A, s2;
	p2 =	seq.s32 @!p0 s5, $0x0  }
0x1f: {  	s9 =	smul.u32 $0xF7A, s1;
	s8 =	simm.s32 @!p0 $0x1BF5;
	p2 =	por !p2, p0  }
0x20: {  	[sflag:s8] =	ssyncset.s32 @!p0 $0xFFFFF086;
	s6 =	sadd.s32 @!p0 s3, s7;
	s7 =	simm.s32 @!p0 $0x108  }
0x21: {  	s3 =	sadd.s32 s3, s9;
	s6 =	sadd.s32 @!p0 $0x88, s6;
	s7 =	simm.s32 @p2 $0x1082  }
0x22: {  	[simem:s7], [sflag:s8] =	dma.local @!p0 [hbm:s6], $0xF7A  }
0x23: {  	s9 =	sor.u32 $0xD0000000, s2;
	s6 =	simm.s32 $0x108;
	_ =	swait.ge @!p0 [sflag:s8], $0x0  }
0x24: {  	s3 =	sadd.s32 $0x88, s3;
	s6 =	simm.s32 @!p1 $0x1082;
	[sflag:s4] =	ssyncset.s32 $0xFFFFF086  }
0x25: {  	[simem:s6], [sflag:s4] =	dma.local [hbm:s3], $0xF7A  }
0x26: {  	[smem:$0x3F9F] =	sst s1;
	(tag) =	ssettag s2;
	_ =	strace s9  }
0x27: {  	s1 =	sld [smem:$0x3FAF]  }
0x28: {  	s2 =	sld [smem:$0x3FB0]  }
0x29: {  	s4 =	sld [smem:$0x3FB2]  }
0x2a: {  	p0 =	seq.s32 s5, $0x0;
	s5 =	sld [smem:$0x3FB3]  }
0x2b: {  	s6 =	sld [smem:$0x3FB4]  }
0x2c: {  	s7 =	sld [smem:$0x3FB5]  }
0x2d: {  	s3 =	simm.s32 $0x108;
	s8 =	sld [smem:$0x3FB6]  }
0x2e: {  	s3 =	simm.s32 @!p0 $0x1082;
	s9 =	sld [smem:$0x3FB7]  }
0x2f: {  	lr =	sadd.s32 s0, s3;
	s0 =	sld [smem:$0x3FAE]  }
0x30: {  	s3 =	sld [smem:$0x3FB1]  }
0x31: {  	[smem:$0x3FBA] =	sst s10  }
0x32: {  	s10 =	sld [smem:$0x3FB8];
	_ =	sdelay $0x3  }
0x33: {  	p0 =	seq.s32 s10, $0x1;
	s10 =	sld [smem:$0x3FBA];
	_ =	sdelay $0x3  }
0x34: {  	[smem:$0x3FBA] =	sst s10  }
0x35: {  	s10 =	sld [smem:$0x3FB9];
	_ =	sdelay $0x3  }
0x36: {  	p1 =	seq.s32 s10, $0x1;
	s10 =	sld [smem:$0x3FBA];
	_ =	sdelay $0x3  }
0x37: {  	[smem:$0x3FBA] =	sst s10  }
0x38: {  	s10 =	sld [smem:$0x3FBB]  }
0x39: {  	_ = 	snop;
	(pc) =	sbr.ind lr, $3  }
0x3a: {  	_ = 	snop  }
0x3b: {  	_ = 	snop  }
0x3c: {  	p2 =	seq.s32 s10, $0x1;
	s10 =	sld [smem:$0x3FBA]  }
0x3d: {  	_ =	shalt  }
0x3e: {  	_ =	shalt  }
0x3f: {  	_ =	shalt  }
0x40: {  	_ =	shalt  }
0x41: {  	_ =	shalt  }
0x42: {  	_ =	shalt  }
0x43: {  	_ =	shalt  }
0x44: {  	_ =	shalt  }
0x45: {  	_ =	shalt  }
0x46: {  	_ =	shalt  }
0x47: {  	_ =	shalt  }
0x48: {  	_ =	shalt  }
0x49: {  	_ =	shalt  }
0x4a: {  	_ =	shalt  }
0x4b: {  	_ =	shalt  }
0x4c: {  	_ =	shalt  }
0x4d: {  	_ =	shalt  }
0x4e: {  	_ =	shalt  }
0x4f: {  	_ =	shalt  }
0x50: {  	_ =	shalt  }
0x51: {  	_ =	shalt  }
0x52: {  	_ =	shalt  }
0x53: {  	_ =	shalt  }
0x54: {  	_ =	shalt  }
0x55: {  	_ =	shalt  }
0x56: {  	_ =	shalt  }
0x57: {  	_ =	shalt  }
0x58: {  	_ =	shalt  }
0x59: {  	_ =	shalt  }
0x5a: {  	_ =	shalt  }
0x5b: {  	_ =	shalt  }
0x5c: {  	_ =	shalt  }
0x5d: {  	_ =	shalt  }
0x5e: {  	_ =	shalt  }
0x5f: {  	_ =	shalt  }
0x60: {  	_ =	shalt  }
0x61: {  	_ =	shalt  }
0x62: {  	_ =	shalt  }
0x63: {  	_ =	shalt  }
0x64: {  	_ =	shalt  }
0x65: {  	_ =	shalt  }
0x66: {  	_ =	shalt  }
0x67: {  	_ =	shalt  }
0x68: {  	_ =	shalt  }
0x69: {  	_ =	shalt  }
0x6a: {  	_ =	shalt  }
0x6b: {  	_ =	shalt  }
0x6c: {  	_ =	shalt  }
0x6d: {  	_ =	shalt  }
0x6e: {  	_ =	shalt  }
0x6f: {  	_ =	shalt  }
0x70: {  	_ =	shalt  }
0x71: {  	_ =	shalt  }
0x72: {  	_ =	shalt  }
0x73: {  	_ =	shalt  }
0x74: {  	_ =	shalt  }
0x75: {  	_ =	shalt  }
0x76: {  	_ =	shalt  }
0x77: {  	_ =	shalt  }
0x78: {  	_ =	shalt  }
0x79: {  	_ =	shalt  }
0x7a: {  	_ =	shalt  }
0x7b: {  	_ =	shalt  }
0x7c: {  	_ =	shalt  }
0x7d: {  	_ =	shalt  }
0x7e: {  	_ =	shalt  }
0x7f: {  	_ =	shalt  }
0x80: {  	_ =	shalt  }
0x81: {  	_ =	shalt  }
0x82: {  	_ =	shalt  }
0x83: {  	_ =	shalt  }
0x84: {  	_ =	shalt  }
0x85: {  	_ =	shalt  }
0x86: {  	_ =	shalt  }
0x87: {  	_ =	shalt  }
.Lfunc_end0:
.L_simem_size_0:
called_computation_lowered:
.L_overlay_start_0:
0x88: {  	s2 =	sld [smem:$0x3FD9]  }
0x89: {  	s3 =	sld [smem:$0x3FFE];
	_ =	sdelay $0x1  }
0x8a: {  	s1 =	srdreg.scid  }
0x8b: {  	s0 =	sand.u32 $0x1, s1  }
0x8c: {  	s18 =	sshll.u32 s0, $0xA;
	s2 =	sadd.s32 s3, s2  }
0x8d: {  	s2 =	sadd.s32 s2, s18  }
0x8e: {  	[smem:$0x3FC6] =	sst s2  }
0x8f: {  	_ = 	snop  }
0x90: {  	s2 =	sld [smem:$0x3FC9]  }
0x91: {  	s19 =	sld [smem:$0x3FC8]  }
0x92: {  	s4 =	sld [smem:$0x3FD0];
	(tm) =	ssettm $0x1  }
0x93: {  	s5 =	sld [smem:$0x3FFB];
	_ =	sdelay $0x3  }
0x94: {  	_ =	strace s5  }
0x95: {  	s5 =	sld [smem:$0x3FFC];
	_ =	sdelay $0x3  }
0x96: {  	_ =	strace s5  }
0x97: {  	s5 =	sld [smem:$0x3FFD];
	_ =	sdelay $0x3  }
0x98: {  	_ =	strace s5  }
0x99: {  	_ =	strace $0x8FFFFFFF  }
0x9a: {  	s20 =	sld [smem:$0x3FDB];
	_ =	sdelay $0x1  }
0x9b: {  	s6 =	simm.s32 $_scs_section_size  }
0x9c: {  	s7 =	simm.s32 $_size__tile_overlayer_lowered;
	s8 =	simm.s32 $_tile_overlayer_lowered  }
0x9d: {  	s23 =	simm.s32 $0x1BFF;
	s22 =	sshll.u32 s8, $0x1;
	s5 =	sadd.s32 s6, s20  }
0x9e: {  	s9 =	simm.s32 $0x0;
	s21 =	sshll.u32 s7, $0x1;
	s7 =	sadd.s32 s22, s5  }
0x9f: {  	[timem:s9], [sflag:s23] =	dma.local [hbm:s7], s21  }
0xa0: {  	_ =	swait.ge [sflag:s23], s21  }
0xa1: {  	s6 =	ssub.s32 $0x0, s21;
	[sflag:s23] =	ssyncset.done $0x0  }
0xa2: {  	[sflag:s23] =	ssyncadd.s32 s6;
	_ =	sdelay $0x1  }
0xa3: {  	s24 =	simm.s32 $0x1B8B  }
0xa4: {  	_ =	swait.ge [sflag:s24], $0x1  }
0xa5: {  	[sflag:s24] =	ssyncset.done $0x0  }
0xa6: {  	s25 =	simm.s32 $0x1B8E;
	[sflag:s24] =	ssyncadd.s32 $0xFFFFFFFF  }
0xa7: {  	s26 =	simm.s32 $execute0_lowered;
	[smem:$0x3FD2] =	sst s25  }
0xa8: {  	s6 =	sshll.u32 s26, $0x1;
	_ =	strace $0x80000046;
	[dreg:$0x1] =	wrdreg $0xFFFFFFFF  }
0xa9: {  	s28 =	simm.s32 $_size_execute0_lowered;
	s5 =	sadd.s32 s5, s6;
	[dreg:$0x0] =	wrdreg $0x0  }
0xaa: {  	s6 =	sshll.u32 s28, $0x1;
	[dreg:$0x2] =	wrdreg s5  }
0xab: {  	[dreg:$0x3] =	wrdreg s6  }
0xac: {  	[dreg:$0x4] =	wrdreg $0xC0  }
0xad: {  	_ =	task [dreg:s9], $0x5FFFF  }
0xae: {  	[dreg:$0x1] =	wrdreg $0xFFFFFFFF  }
0xaf: {  	[dreg:$0x0] =	wrdreg $0x60  }
0xb0: {  	[dreg:$0x2] =	wrdreg s19  }
0xb1: {  	[dreg:$0x3] =	wrdreg s2  }
0xb2: {  	[dreg:$0x4] =	wrdreg s4  }
0xb3: {  	[dreg:$0x5] =	wrdreg $0x9  }
0xb4: {  	_ =	task.clear_ibuf [dreg:s9], $0x6FFFF;
	_ =	strace $0x90000046  }
0xb5: {  	s29 =	simm.s32 $0x9;
	_ =	strace $0x80000048  }
0xb6: {  	_ =	swait.ge [sflag:s29], $0x1  }
0xb7: {  	[sflag:s29] =	ssyncadd.s32 $0xFFFFFFFF  }
0xb8: {  	_ =	strace $0x90000048  }
0xb9: {  	_ =	sfence  }
0xba: {  	s30 =	sld [smem:$0x0];
	_ =	sdelay $0x2  }
0xbb: {  	s31 =	sshll.u32 s1, $0xD;
	s1 =	sshrl.u32 s1, $0x2  }
0xbc: {  	s3 =	sand.u32 $0x4000, s31;
	s1 =	sadd.s32 s1, s30  }
0xbd: {  	s0 =	sor.u32 s3, s0;
	s1 =	sshll.u32 s1, $0x11  }
0xbe: {  	s0 =	sor.u32 s1, s0  }
0xbf: {  	s0 =	sadd.s32 $0x8F2B, s0  }
0xc0: {  	[sflag:s0] =	ssyncadd.remote.s32 $0x1  }
0xc1: {  	_ =	sfence.sel $0xFFFF  }
0xc2: {  	[dreg:$0x0] =	wrdreg $0xFFFFFFFF;
	(pc) =	sbr.abs _section_cstart, $3  }
0xc3: {  	[dreg:$0x1] =	wrdreg $0xFFFFFFFF  }
0xc4: {  	_ =	task.clear_ibuf [dreg:s9], $0x2FFFF;
	_ =	strace $0x9FFFFFFF  }
0xc5: {  	(tm) =	ssettm $0x7FFFFFFF  }
tec
execute0_lowered:
.L_overlay_start_1:
0x0: {  	(tag) =	ssettag $0x1  }
0x1: {  	s1 =	rddreg [dreg:$0x0]  }
0x2: {  	s0 =	rddreg [dreg:$0x1];
	s2 =	srdreg.scid  }
0x3: {  	s23 =	rddreg [dreg:$0x2];
	s7 =	stileid.u32;
	s2 =	sand.u32 $0x1, s2  }
0x4: {  	s4 =	simm.s32 $0x0;
	s3 =	sshll.u32 s7, $0x8;
	s5 =	sshll.u32 s2, $0x7  }
0x5: {  	[smem:$0x7FF] =	sst s4;
	s6 =	ssub.s32 $0x2, s2;
	s3 =	sor.u32 s5, s3  }
0x6: {  	_ =	strace $0x80000047;
	s24 =	sshrl.u32 s6, $0x1;
	s8 =	sadd.s32 s0, s3  }
0x7: {  	s25 =	sshll.u32 s3, $0x4;
	[dreg:$0x4] =	wrdreg s8;
	s29 =	sadd.s32 $0x6000, s8  }
0x8: {  	s26 =	ssub.s32 s6, s24;
	s30 =	sadd.s32 s23, s25;
	[dreg:$0x5] =	wrdreg s29  }
0x9: {  	s28 =	simm.s32 $0x80;
	s15 =	smax.u32 s26, $0x1;
	[dreg:$0x6] =	wrdreg s30  }
0xa: {  	s31 =	simm.s32 $0x5C00;
	s0 =	sadd.s32 $0x2B0000, s30;
	[dreg:$0xe] =	wrdreg s15  }
0xb: {  	s11 =	sshll.u32 s7, $0xF;
	s8 =	sadd.s32 $0x2C0000, s30;
	[dreg:$0x7] =	wrdreg s0  }
0xc: {  	s7 =	simm.s32 $0x7;
	s9 =	sadd.s32 $0x2D0000, s30;
	[dreg:$0x8] =	wrdreg s8  }
0xd: {  	s2 =	sshll.u32 s2, $0xE;
	s10 =	sadd.s32 $0x2E0000, s30;
	[dreg:$0x9] =	wrdreg s9  }
0xe: {  	s5 =	simm.s32 $0x5;
	s12 =	sadd.s32 $0x2F0000, s30;
	[dreg:$0xa] =	wrdreg s10  }
0xf: {  	s13 =	sadd.s32 $0x300000, s30;
	s14 =	sadd.s32 $0x310000, s30;
	[dreg:$0xb] =	wrdreg s12  }
0x10: {  	s15 =	simm.s32 $0xC;
	[dreg:$0xc] =	wrdreg s13;
	s0 =	sor.u32 s2, s11  }
0x11: {  	[dreg:$0xd] =	wrdreg s14;
	s12 =	simm.s32 $0xA;
	s13 =	simm.s32 $0xB  }
0x12: {  	s14 =	simm.s32 $0x6;
	s16 =	sor.u32 $0x300000, s0;
	s17 =	sor.u32 $0x280000, s0  }
0x13: {  	s18 =	sor.u32 $0x200000, s0;
	s22 =	sor.u32 $0x180000, s0;
	s24 =	sor.u32 $0x100000, s0  }
0x14: {  	s25 =	sor.u32 $0x80000, s0;
	s0 =	sor.u32 $0x380000, s0;
	s2 =	sshrl.u32 s16, $0x3  }
0x15: {  	s20 =	sshrl.u32 s18, $0x3;
	[dreg:$0x15] =	wrdreg s0;
	s2 =	sadd.s32 s2, s23  }
0x16: {  	s19 =	sshrl.u32 s17, $0x3;
	s21 =	sadd.s32 s20, s23;
	[dreg:$0xf] =	wrdreg s2  }
0x17: {  	s29 =	sshrl.u32 s25, $0x3;
	s2 =	sadd.s32 s19, s23;
	[dreg:$0x11] =	wrdreg s21  }
0x18: {  	s30 =	sadd.s32 s29, s23;
	[dreg:$0x10] =	wrdreg s2;
	s2 =	sshrl.u32 s22, $0x3  }
0x19: {  	s26 =	sshrl.u32 s24, $0x3;
	[dreg:$0x14] =	wrdreg s30;
	s2 =	sadd.s32 s2, s23  }
0x1a: {  	s16 =	simm.s32 $0xE;
	[dreg:$0x12] =	wrdreg s2;
	s2 =	sadd.s32 s26, s23  }
0x1b: {  	s26 =	simm.s32 $0xD;
	[dreg:$0x13] =	wrdreg s2;
	s2 =	simm.s32 $0x0  }
.LBB2_1:
0x1c: {  	[dreg:$0x16] =	wrdreg s2  }
0x1d: {  	s0 =	rddreg [dreg:$0x4];
	s3 =	simm.s32 $0x400;
	s17 =	simm.s32 $0x8000  }
0x1e: {  	[tilespmem:s4], [sflag:$0xF] =	stream.strided.gather [hbm4b:s0+s3], $0x1800, s17, s3, $0x38;
	[tilespmem:$0x1DC00] =	vst v63  }
0x1f: {  	s9 =	rddreg [dreg:$0x5];
	s10 =	simm.s32 $0x1800;
	s11 =	simm.s32 $0xF  }
0x20: {  	[tilespmem:s10], [sflag:$0xF] =	stream.linear.gather [hbm4b:s9+s4], $0x100, $0x38;
	[tilespmem:$0x1DC00] =	vst v63  }
0x21: {  	_ =	swait.ge [sflag:s11], $0x1900  }
0x22: {  	[sflag:s11] =	ssyncset.done $0x0  }
0x23: {  	s2 =	simm.s32 $0x1C00;
	[sflag:s11] =	ssyncadd.s32 $0xFFFFE700  }
0x24: {  	[tilespmem:s2], [sflag:$0x1] =	stream.indirect.gather [hbm4b:s1+s28], $0x80, s4, s28, $0xb8;
	[tilespmem:$0x1DC00] =	vst v63  }
0x25: {  	s3 =	simm.s32 $0x5C00  }
0x26: {  	[tilespmem:s3], [sflag:$0x2] =	stream.indirect.gather [hbm4b:s1+s28], $0x80, s28, s28, $0xb8;
	[tilespmem:$0x1DC00] =	vst v63  }
0x27: {  	s18 =	simm.s32 $0x9C00;
	s17 =	simm.s32 $0x100  }
0x28: {  	[tilespmem:s18], [sflag:$0x3] =	stream.indirect.gather [hbm4b:s1+s28], $0x80, s17, s28, $0xb8;
	[tilespmem:$0x1DC00] =	vst v63  }
0x29: {  	s19 =	simm.s32 $0x180;
	s6 =	simm.s32 $0xDC00  }
0x2a: {  	[tilespmem:s6], [sflag:$0x4] =	stream.indirect.gather [hbm4b:s1+s28], $0x80, s19, s28, $0xb8;
	[tilespmem:$0x1DC00] =	vst v63  }
0x2b: {  	s20 =	simm.s32 $0x200;
	s8 =	simm.s32 $0x11C00  }
0x2c: {  	[tilespmem:s8], [sflag:$0x5] =	stream.indirect.gather [hbm4b:s1+s28], $0x80, s20, s28, $0xb8;
	[tilespmem:$0x1DC00] =	vst v63  }
0x2d: {  	s21 =	simm.s32 $0x280;
	s9 =	simm.s32 $0x15C00;
	s10 =	simm.s32 $0x1  }
0x2e: {  	[tilespmem:s9], [sflag:$0x6] =	stream.indirect.gather [hbm4b:s1+s28], $0x80, s21, s28, $0xb8;
	[tilespmem:$0x1DC00] =	vst v63  }
0x2f: {  	_ =	swait.ge [sflag:s10], $0x4000  }
0x30: {  	[sflag:s10] =	ssyncset.done $0x0  }
0x31: {  	s22 =	rddreg [dreg:$0x6];
	[sflag:s10] =	ssyncadd.s32 $0xFFFFC000  }
0x32: {  	[hbm4b:s22+s4] =	stream.linear.scatter [tilespmem:s2], [sflag:$0x8], $0x4000, $0x38;
	[tilespmem:$0x1DC00] =	vst v63  }
0x33: {  	s24 =	simm.s32 $0x300;
	s25 =	simm.s32 $0x2;
	s11 =	simm.s32 $0x19C00  }
0x34: {  	[tilespmem:s11], [sflag:$0x7] =	stream.indirect.gather [hbm4b:s1+s28], $0x80, s24, s28, $0xb8;
	[tilespmem:$0x1DC00] =	vst v63  }
0x35: {  	_ =	swait.ge [sflag:s25], $0x4000  }
0x36: {  	[sflag:s25] =	ssyncset.done $0x0  }
0x37: {  	s30 =	simm.s32 $0x8;
	s20 =	rddreg [dreg:$0x14];
	[sflag:s25] =	ssyncadd.s32 $0xFFFFC000  }
0x38: {  	[hbm4b:s20+s4] =	stream.linear.scatter [tilespmem:s3], [sflag:$0x9], $0x4000, $0x38;
	[tilespmem:$0x1DC00] =	vst v63  }
0x39: {  	_ =	swait.ge [sflag:s30], $0x4000  }
0x3a: {  	[sflag:s30] =	ssyncset.done $0x0  }
0x3b: {  	s17 =	simm.s32 $0x380;
	s19 =	simm.s32 $0x3;
	[sflag:s30] =	ssyncadd.s32 $0xFFFFC000  }
0x3c: {  	[tilespmem:s2], [sflag:$0x1] =	stream.indirect.gather [hbm4b:s1+s28], $0x80, s17, s28, $0xb8;
	[tilespmem:$0x1DC00] =	vst v63  }
0x3d: {  	_ =	swait.ge [sflag:s19], $0x4000  }
0x3e: {  	[sflag:s19] =	ssyncset.done $0x0  }
0x3f: {  	s21 =	simm.s32 $0x9;
	s22 =	rddreg [dreg:$0x13];
	[sflag:s19] =	ssyncadd.s32 $0xFFFFC000  }
0x40: {  	[hbm4b:s22+s4] =	stream.linear.scatter [tilespmem:s18], [sflag:$0xA], $0x4000, $0x38;
	[tilespmem:$0x1DC00] =	vst v63  }
0x41: {  	_ =	swait.ge [sflag:s21], $0x4000  }
0x42: {  	[sflag:s21] =	ssyncset.done $0x0  }
0x43: {  	s24 =	simm.s32 $0x400;
	s25 =	simm.s32 $0x4;
	[sflag:s21] =	ssyncadd.s32 $0xFFFFC000  }
0x44: {  	[tilespmem:s3], [sflag:$0x2] =	stream.indirect.gather [hbm4b:s1+s28], $0x80, s24, s28, $0xb8;
	[tilespmem:$0x1DC00] =	vst v63  }
0x45: {  	_ =	swait.ge [sflag:s25], $0x4000  }
0x46: {  	[sflag:s25] =	ssyncset.done $0x0  }
0x47: {  	s17 =	rddreg [dreg:$0x12];
	[sflag:s25] =	ssyncadd.s32 $0xFFFFC000  }
0x48: {  	[hbm4b:s17+s4] =	stream.linear.scatter [tilespmem:s6], [sflag:$0xB], $0x4000, $0x38;
	[tilespmem:$0x1DC00] =	vst v63  }
0x49: {  	_ =	swait.ge [sflag:s12], $0x4000  }
0x4a: {  	[sflag:s12] =	ssyncset.done $0x0  }
0x4b: {  	s30 =	simm.s32 $0x480;
	[sflag:s12] =	ssyncadd.s32 $0xFFFFC000  }
0x4c: {  	[tilespmem:s18], [sflag:$0x3] =	stream.indirect.gather [hbm4b:s1+s28], $0x80, s30, s28, $0xb8;
	[tilespmem:$0x1DC00] =	vst v63  }
0x4d: {  	_ =	swait.ge [sflag:s5], $0x4000  }
0x4e: {  	[sflag:s5] =	ssyncset.done $0x0  }
0x4f: {  	s29 =	rddreg [dreg:$0x11];
	[sflag:s5] =	ssyncadd.s32 $0xFFFFC000  }
0x50: {  	[hbm4b:s29+s4] =	stream.linear.scatter [tilespmem:s8], [sflag:$0xC], $0x4000, $0x38;
	[tilespmem:$0x1DC00] =	vst v63  }
0x51: {  	_ =	swait.ge [sflag:s13], $0x4000  }
0x52: {  	[sflag:s13] =	ssyncset.done $0x0  }
0x53: {  	s3 =	simm.s32 $0x500;
	[sflag:s13] =	ssyncadd.s32 $0xFFFFC000  }
0x54: {  	[tilespmem:s6], [sflag:$0x4] =	stream.indirect.gather [hbm4b:s1+s28], $0x80, s3, s28, $0xb8;
	[tilespmem:$0x1DC00] =	vst v63  }
0x55: {  	_ =	swait.ge [sflag:s14], $0x4000  }
0x56: {  	[sflag:s14] =	ssyncset.done $0x0  }
0x57: {  	s6 =	rddreg [dreg:$0x10];
	[sflag:s14] =	ssyncadd.s32 $0xFFFFC000  }
0x58: {  	[hbm4b:s6+s4] =	stream.linear.scatter [tilespmem:s9], [sflag:$0xD], $0x4000, $0x38;
	[tilespmem:$0x1DC00] =	vst v63  }
0x59: {  	_ =	swait.ge [sflag:s15], $0x4000  }
0x5a: {  	[sflag:s15] =	ssyncset.done $0x0  }
0x5b: {  	s21 =	simm.s32 $0x580;
	[sflag:s15] =	ssyncadd.s32 $0xFFFFC000  }
0x5c: {  	[tilespmem:s8], [sflag:$0x5] =	stream.indirect.gather [hbm4b:s1+s28], $0x80, s21, s28, $0xb8;
	[tilespmem:$0x1DC00] =	vst v63  }
0x5d: {  	_ =	swait.ge [sflag:s7], $0x4000  }
0x5e: {  	[sflag:s7] =	ssyncset.done $0x0  }
0x5f: {  	s25 =	rddreg [dreg:$0xf];
	[sflag:s7] =	ssyncadd.s32 $0xFFFFC000  }
0x60: {  	[hbm4b:s25+s4] =	stream.linear.scatter [tilespmem:s11], [sflag:$0xE], $0x4000, $0x38;
	[tilespmem:$0x1DC00] =	vst v63  }
0x61: {  	_ =	swait.ge [sflag:s26], $0x4000  }
0x62: {  	[sflag:s26] =	ssyncset.done $0x0  }
0x63: {  	s24 =	simm.s32 $0x600;
	[sflag:s26] =	ssyncadd.s32 $0xFFFFC000  }
0x64: {  	[tilespmem:s9], [sflag:$0x6] =	stream.indirect.gather [hbm4b:s1+s28], $0x80, s24, s28, $0xb8;
	[tilespmem:$0x1DC00] =	vst v63  }
0x65: {  	_ =	swait.ge [sflag:s10], $0x4000  }
0x66: {  	s20 =	sadd.s32 $0x70000, s20;
	s30 =	rddreg [dreg:$0x15]  }
0x67: {  	s22 =	sadd.s32 $0x70000, s22;
	[sflag:s10] =	ssyncset.done $0x0;
	s0 =	sshrl.u32 s30, $0x3  }
0x68: {  	s18 =	simm.s32 $0xE00;
	[sflag:s10] =	ssyncadd.s32 $0xFFFFC000;
	s0 =	sadd.s32 s23, s0  }
0x69: {  	[hbm4b:s0+s4] =	stream.linear.scatter [tilespmem:s2], [sflag:$0x8], $0x4000, $0x38;
	[tilespmem:$0x1DC00] =	vst v63  }
0x6a: {  	s3 =	sadd.s32 $0x70000, s29;
	s21 =	sadd.s32 $0x70000, s17;
	_ =	swait.ge [sflag:s16], $0x4000  }
0x6b: {  	s17 =	sadd.s32 $0x70000, s6;
	s29 =	sadd.s32 $0x70000, s25;
	[sflag:s16] =	ssyncset.done $0x0  }
0x6c: {  	s19 =	sadd.s32 $0x380000, s30;
	s0 =	simm.s32 $0x680;
	[sflag:s16] =	ssyncadd.s32 $0xFFFFC000  }
.LBB2_2:
0x6d: {  	s11 =	simm.s32 $0x19C00  }
0x6e: {  	[tilespmem:s11], [sflag:$0x7] =	stream.indirect.gather [hbm4b:s1+s28], $0x80, s0, s28, $0xb8;
	[tilespmem:$0x1DC00] =	vst v63  }
0x6f: {  	s30 =	smov.u32 s18;
	s2 =	simm.s32 $0x2;
	s0 =	smov.u32 s19  }
0x70: {  	p0 =	sne.s32 s18, $0x4600;
	s18 =	sadd.s32 $0xE00, s18;
	_ =	swait.ge [sflag:s2], $0x4000  }
0x71: {  	[sflag:s2] =	ssyncset.done $0x0  }
0x72: {  	s24 =	simm.s32 $0x5C00;
	[sflag:s2] =	ssyncadd.s32 $0xFFFFC000;
	s2 =	simm.s32 $0x8  }
0x73: {  	[hbm4b:s20+s4] =	stream.linear.scatter [tilespmem:s24], [sflag:$0x9], $0x4000, $0x38;
	[tilespmem:$0x1DC00] =	vst v63  }
0x74: {  	s25 =	smov.u32 s23;
	_ =	swait.ge [sflag:s2], $0x4000  }
0x75: {  	s6 =	simm.s32 $0x3;
	s30 =	sshra.s32 s30, $0x2;
	[sflag:s2] =	ssyncset.done $0x0  }
0x76: {  	s23 =	sadd.s32 $0x380, s30;
	[sflag:s2] =	ssyncadd.s32 $0xFFFFC000;
	s2 =	simm.s32 $0x1C00  }
0x77: {  	[tilespmem:s2], [sflag:$0x1] =	stream.indirect.gather [hbm4b:s1+s28], $0x80, s23, s28, $0xb8;
	[tilespmem:$0x1DC00] =	vst v63  }
0x78: {  	_ =	swait.ge [sflag:s6], $0x4000  }
0x79: {  	[sflag:s6] =	ssyncset.done $0x0  }
0x7a: {  	s8 =	simm.s32 $0x9;
	[sflag:s6] =	ssyncadd.s32 $0xFFFFC000;
	s6 =	simm.s32 $0x9C00  }
0x7b: {  	[hbm4b:s22+s4] =	stream.linear.scatter [tilespmem:s6], [sflag:$0xA], $0x4000, $0x38;
	[tilespmem:$0x1DC00] =	vst v63  }
0x7c: {  	_ =	swait.ge [sflag:s8], $0x4000  }
0x7d: {  	[sflag:s8] =	ssyncset.done $0x0  }
0x7e: {  	s23 =	sadd.s32 $0x400, s30;
	[sflag:s8] =	ssyncadd.s32 $0xFFFFC000;
	s8 =	simm.s32 $0x4  }
0x7f: {  	[tilespmem:s24], [sflag:$0x2] =	stream.indirect.gather [hbm4b:s1+s28], $0x80, s23, s28, $0xb8;
	[tilespmem:$0x1DC00] =	vst v63  }
0x80: {  	_ =	swait.ge [sflag:s8], $0x4000  }
0x81: {  	[sflag:s8] =	ssyncset.done $0x0  }
0x82: {  	[sflag:s8] =	ssyncadd.s32 $0xFFFFC000;
	s8 =	simm.s32 $0xDC00  }
0x83: {  	[hbm4b:s21+s4] =	stream.linear.scatter [tilespmem:s8], [sflag:$0xB], $0x4000, $0x38;
	[tilespmem:$0x1DC00] =	vst v63  }
0x84: {  	_ =	swait.ge [sflag:s12], $0x4000  }
0x85: {  	[sflag:s12] =	ssyncset.done $0x0  }
0x86: {  	s23 =	sadd.s32 $0x480, s30;
	s24 =	simm.s32 $0x9C00;
	[sflag:s12] =	ssyncadd.s32 $0xFFFFC000  }
0x87: {  	[tilespmem:s6], [sflag:$0x3] =	stream.indirect.gather [hbm4b:s1+s28], $0x80, s23, s28, $0xb8;
	[tilespmem:$0x1DC00] =	vst v63  }
0x88: {  	_ =	swait.ge [sflag:s5], $0x4000  }
0x89: {  	[sflag:s5] =	ssyncset.done $0x0  }
0x8a: {  	s9 =	simm.s32 $0x11C00;
	[sflag:s5] =	ssyncadd.s32 $0xFFFFC000  }
0x8b: {  	[hbm4b:s3+s4] =	stream.linear.scatter [tilespmem:s9], [sflag:$0xC], $0x4000, $0x38;
	[tilespmem:$0x1DC00] =	vst v63  }
0x8c: {  	_ =	swait.ge [sflag:s13], $0x4000  }
0x8d: {  	[sflag:s13] =	ssyncset.done $0x0  }
0x8e: {  	s23 =	sadd.s32 $0x500, s30;
	s6 =	simm.s32 $0xDC00;
	[sflag:s13] =	ssyncadd.s32 $0xFFFFC000  }
0x8f: {  	[tilespmem:s8], [sflag:$0x4] =	stream.indirect.gather [hbm4b:s1+s28], $0x80, s23, s28, $0xb8;
	[tilespmem:$0x1DC00] =	vst v63  }
0x90: {  	_ =	swait.ge [sflag:s14], $0x4000  }
0x91: {  	[sflag:s14] =	ssyncset.done $0x0  }
0x92: {  	s10 =	simm.s32 $0x15C00;
	[sflag:s14] =	ssyncadd.s32 $0xFFFFC000  }
0x93: {  	[hbm4b:s17+s4] =	stream.linear.scatter [tilespmem:s10], [sflag:$0xD], $0x4000, $0x38;
	[tilespmem:$0x1DC00] =	vst v63  }
0x94: {  	_ =	swait.ge [sflag:s15], $0x4000  }
0x95: {  	[sflag:s15] =	ssyncset.done $0x0  }
0x96: {  	s23 =	sadd.s32 $0x580, s30;
	s8 =	simm.s32 $0x11C00;
	[sflag:s15] =	ssyncadd.s32 $0xFFFFC000  }
0x97: {  	[tilespmem:s9], [sflag:$0x5] =	stream.indirect.gather [hbm4b:s1+s28], $0x80, s23, s28, $0xb8;
	[tilespmem:$0x1DC00] =	vst v63  }
0x98: {  	_ =	swait.ge [sflag:s7], $0x4000  }
0x99: {  	[sflag:s7] =	ssyncset.done $0x0  }
0x9a: {  	[sflag:s7] =	ssyncadd.s32 $0xFFFFC000  }
0x9b: {  	[hbm4b:s29+s4] =	stream.linear.scatter [tilespmem:s11], [sflag:$0xE], $0x4000, $0x38;
	[tilespmem:$0x1DC00] =	vst v63  }
0x9c: {  	_ =	swait.ge [sflag:s26], $0x4000  }
0x9d: {  	[sflag:s26] =	ssyncset.done $0x0  }
0x9e: {  	s23 =	sadd.s32 $0x600, s30;
	[sflag:s26] =	ssyncadd.s32 $0xFFFFC000  }
0x9f: {  	[tilespmem:s10], [sflag:$0x6] =	stream.indirect.gather [hbm4b:s1+s28], $0x80, s23, s28, $0xb8;
	[tilespmem:$0x1DC00] =	vst v63  }
0xa0: {  	s9 =	simm.s32 $0x15C00;
	s23 =	smov.u32 s25;
	s10 =	simm.s32 $0x1  }
0xa1: {  	s19 =	sadd.s32 $0x380000, s19;
	_ =	swait.ge [sflag:s10], $0x4000  }
0xa2: {  	s0 =	sshrl.u32 s0, $0x3;
	s20 =	sadd.s32 $0x70000, s20;
	[sflag:s10] =	ssyncset.done $0x0  }
.Ltmp0:
0xa3: {  	s0 =	sadd.s32 s25, s0;
	[sflag:s10] =	ssyncadd.s32 $0xFFFFC000;
	(pc) =	sbr.rel @p0 .LBB2_2-.Ltmp0, $4  }
0xa4: {  	[hbm4b:s0+s4] =	stream.linear.scatter [tilespmem:s2], [sflag:$0x8], $0x4000, $0x38;
	[tilespmem:$0x1DC00] =	vst v63  }
0xa5: {  	s22 =	sadd.s32 $0x70000, s22;
	s21 =	sadd.s32 $0x70000, s21;
	_ =	swait.ge [sflag:s16], $0x4000  }
0xa6: {  	s3 =	sadd.s32 $0x70000, s3;
	s17 =	sadd.s32 $0x70000, s17;
	[sflag:s16] =	ssyncset.done $0x0  }
0xa7: {  	s29 =	sadd.s32 $0x70000, s29;
	s0 =	sadd.s32 $0x680, s30;
	[sflag:s16] =	ssyncadd.s32 $0xFFFFC000  }
0xa8: {  	s3 =	simm.s32 $0x19C00;
	s22 =	simm.s32 $0x2  }
0xa9: {  	[tilespmem:s3], [sflag:$0x7] =	stream.indirect.gather [hbm4b:s1+s28], $0x80, s0, s28, $0xb8;
	[tilespmem:$0x1DC00] =	vst v63  }
0xaa: {  	_ =	swait.ge [sflag:s22], $0x4000  }
0xab: {  	[sflag:s22] =	ssyncset.done $0x0  }
0xac: {  	s10 =	simm.s32 $0x8;
	s25 =	rddreg [dreg:$0x7];
	[sflag:s22] =	ssyncadd.s32 $0xFFFFC000  }
0xad: {  	[hbm4b:s25+s4] =	stream.linear.scatter [tilespmem:s31], [sflag:$0x9], $0x4000, $0x38;
	[tilespmem:$0x1DC00] =	vst v63  }
0xae: {  	_ =	swait.ge [sflag:s10], $0x4000  }
0xaf: {  	s2 =	simm.s32 $0x1C00;
	[sflag:s10] =	ssyncset.done $0x0  }
0xb0: {  	s29 =	simm.s32 $0x1880;
	s30 =	simm.s32 $0x3;
	[sflag:s10] =	ssyncadd.s32 $0xFFFFC000  }
0xb1: {  	[tilespmem:s2], [sflag:$0x1] =	stream.indirect.gather [hbm4b:s1+s28], $0x80, s29, s28, $0xb8;
	[tilespmem:$0x1DC00] =	vst v63  }
0xb2: {  	_ =	swait.ge [sflag:s30], $0x4000  }
0xb3: {  	[sflag:s30] =	ssyncset.done $0x0  }
0xb4: {  	s17 =	simm.s32 $0x4;
	s11 =	rddreg [dreg:$0x8];
	[sflag:s30] =	ssyncadd.s32 $0xFFFFC000  }
0xb5: {  	[hbm4b:s11+s4] =	stream.linear.scatter [tilespmem:s24], [sflag:$0xA], $0x4000, $0x38;
	[tilespmem:$0x1DC00] =	vst v63  }
0xb6: {  	_ =	swait.ge [sflag:s17], $0x4000  }
0xb7: {  	[sflag:s17] =	ssyncset.done $0x0  }
0xb8: {  	s18 =	rddreg [dreg:$0x9];
	[sflag:s17] =	ssyncadd.s32 $0xFFFFC000  }
0xb9: {  	[hbm4b:s18+s4] =	stream.linear.scatter [tilespmem:s6], [sflag:$0xB], $0x4000, $0x38;
	[tilespmem:$0x1DC00] =	vst v63  }
0xba: {  	_ =	swait.ge [sflag:s5], $0x4000  }
0xbb: {  	[sflag:s5] =	ssyncset.done $0x0  }
0xbc: {  	s19 =	rddreg [dreg:$0xa];
	[sflag:s5] =	ssyncadd.s32 $0xFFFFC000  }
0xbd: {  	[hbm4b:s19+s4] =	stream.linear.scatter [tilespmem:s8], [sflag:$0xC], $0x4000, $0x38;
	[tilespmem:$0x1DC00] =	vst v63  }
0xbe: {  	_ =	swait.ge [sflag:s14], $0x4000  }
0xbf: {  	[sflag:s14] =	ssyncset.done $0x0  }
0xc0: {  	s20 =	rddreg [dreg:$0xb];
	[sflag:s14] =	ssyncadd.s32 $0xFFFFC000  }
0xc1: {  	[hbm4b:s20+s4] =	stream.linear.scatter [tilespmem:s9], [sflag:$0xD], $0x4000, $0x38;
	[tilespmem:$0x1DC00] =	vst v63  }
0xc2: {  	_ =	swait.ge [sflag:s7], $0x4000  }
0xc3: {  	[sflag:s7] =	ssyncset.done $0x0  }
0xc4: {  	s22 =	simm.s32 $0x1;
	s21 =	rddreg [dreg:$0xc];
	[sflag:s7] =	ssyncadd.s32 $0xFFFFC000  }
0xc5: {  	[hbm4b:s21+s4] =	stream.linear.scatter [tilespmem:s3], [sflag:$0xE], $0x4000, $0x38;
	[tilespmem:$0x1DC00] =	vst v63  }
0xc6: {  	_ =	swait.ge [sflag:s22], $0x4000  }
0xc7: {  	[sflag:s22] =	ssyncset.done $0x0  }
0xc8: {  	s25 =	simm.s32 $0x9;
	s24 =	rddreg [dreg:$0xd];
	[sflag:s22] =	ssyncadd.s32 $0xFFFFC000  }
0xc9: {  	[hbm4b:s24+s4] =	stream.linear.scatter [tilespmem:s2], [sflag:$0x8], $0x4000, $0x38;
	[tilespmem:$0x1DC00] =	vst v63  }
0xca: {  	_ =	swait.ge [sflag:s25], $0x4000  }
0xcb: {  	[sflag:s25] =	ssyncset.done $0x0  }
0xcc: {  	[sflag:s25] =	ssyncadd.s32 $0xFFFFC000  }
0xcd: {  	_ =	swait.ge [sflag:s12], $0x4000  }
0xce: {  	[sflag:s12] =	ssyncset.done $0x0  }
0xcf: {  	[sflag:s12] =	ssyncadd.s32 $0xFFFFC000  }
0xd0: {  	_ =	swait.ge [sflag:s13], $0x4000  }
0xd1: {  	[sflag:s13] =	ssyncset.done $0x0  }
0xd2: {  	[sflag:s13] =	ssyncadd.s32 $0xFFFFC000  }
0xd3: {  	_ =	swait.ge [sflag:s15], $0x4000  }
0xd4: {  	[sflag:s15] =	ssyncset.done $0x0  }
0xd5: {  	[sflag:s15] =	ssyncadd.s32 $0xFFFFC000  }
0xd6: {  	_ =	swait.ge [sflag:s26], $0x4000  }
0xd7: {  	[sflag:s26] =	ssyncset.done $0x0  }
0xd8: {  	[sflag:s26] =	ssyncadd.s32 $0xFFFFC000  }
0xd9: {  	_ =	swait.ge [sflag:s16], $0x4000  }
0xda: {  	[sflag:s16] =	ssyncset.done $0x0  }
0xdb: {  	[sflag:s16] =	ssyncadd.s32 $0xFFFFC000  }
0xdc: {  	_ =	swait.ge [sflag:s10], $0x4000  }
0xdd: {  	s29 =	rddreg [dreg:$0x16]  }
0xde: {  	s30 =	rddreg [dreg:$0xe];
	s2 =	sadd.s32 $0x1, s29  }
0xdf: {  	p0 =	sne.s32 s2, s30  }
.Ltmp1:
0xe0: {  	_ = 	snop;
	(pc) =	sbr.rel @p0 .LBB2_1-.Ltmp1, $3  }
0xe1: {  	_ =	sdelay $0x1  }
0xe2: {  	[sflag:s10] =	ssyncset.done $0x0  }
0xe3: {  	[sflag:s10] =	ssyncadd.s32 $0xFFFFC000  }
0xe4: {  	_ =	sfence.sel $0x180000  }
0xe5: {  	[bflag:$0x0] =	sbarrier.arrive $0xFFFF  }
0xe6: {  	_ =	strace $0x90000047  }
0xe7: {  	s0 =	stileid.u32;
	[bflag:$0x2] =	sbarrier.arrive $0xFFFF  }
0xe8: {  	p0 =	sne.s32 s0, $0x0;
	s0 =	rddreg [dreg:$0x3]  }
0xe9: {  	s0 =	sadd.s32 @!p0 $0x100000, s0  }
0xea: {  	[sflag:s0] =	ssyncadd.tile.s32 @!p0 $0x1;
	_ =	shalt  }
.Lfunc_end2:
_tile_overlayer_lowered:
.L_overlay_start_2:
0xeb: {  	(tag) =	ssettag $0x2  }
0xec: {  	s0 =	rddreg [dreg:$0x0];
	s2 =	stileid.u32  }
0xed: {  	s1 =	rddreg [dreg:$0x1];
	p0 =	sne.s32 s2, $0x0  }
0xee: {  	s3 =	rddreg [dreg:$0x2];
	[bflag:$0x3] =	sbarrier.arrive $0xFFFF;
	s2 =	simm.s32 @!p0 $0x1C0F  }
0xef: {  	[timem:s3], [sflag:s2] =	dma.local @!p0 [hbm:s0], s1  }
0xf0: {  	s0 =	simm.s32 @!p0 $0xF  }
0xf1: {  	_ =	swait.ge @!p0 [sflag:s0], s1  }
0xf2: {  	s1 =	ssub.s32 @!p0 $0x0, s1;
	[sflag:s0] =	ssyncset.done @!p0 $0x0  }
0xf3: {  	[sflag:s0] =	ssyncadd.s32 @!p0 s1  }
0xf4: {  	[bflag:$0x3] =	sbarrier.arrive $0xFFFF  }
0xf5: {  	_ =	shalt  }

</sc_bundles>
